<compile_context>
chip_gen: v7x
topology: tpu7x:2x2x1
jax: 0.10.2.dev20260603
libtpu: 0.0.44.dev20260713+nightly
codegen_flags: <defaults>
</compile_context>

<pallas_src>
import functools

import jax
import jax.numpy as jnp
from jax import lax
from jax.experimental import pallas as pl
from jax.experimental.pallas import tpu as pltpu
from jax.experimental.pallas import tpu_sc as plsc

N = 2048
TOPK = 12
RBLK = 256

SC_NC = 2
SC_NS = 16
SC_NW = SC_NC * SC_NS
GD = 64

_HIGH = lax.Precision.HIGHEST


def _dot3(x, w):
    xh = x.astype(jnp.bfloat16)
    xl = (x - xh.astype(jnp.float32)).astype(jnp.bfloat16)
    wh = w.astype(jnp.bfloat16)
    wl = (w - wh.astype(jnp.float32)).astype(jnp.bfloat16)
    dot = lambda p, q: jnp.dot(p, q, preferred_element_type=jnp.float32)
    return dot(xh, wh) + dot(xh, wl) + dot(xl, wh)


def _topk_body(s_ref, sxyT_ref, w1a_ref, inds_ref, dv_ref, eye_ref, a_ref):
    s = s_ref[...]
    sx = s[:, 0:1]
    sy = s[:, 1:2]
    tx = sxyT_ref[0:1, :]
    ty = sxyT_ref[1:2, :]
    dx = sx - tx
    dy = sy - ty
    d = jnp.sqrt((dx * dx + 0.0001) + (dy * dy + 0.0001))
    ii = lax.broadcasted_iota(jnp.int32, (RBLK, N), 1).astype(jnp.float32)
    rows = (jnp.float32(pl.program_id(0) * RBLK)
            + lax.broadcasted_iota(jnp.int32, (RBLK, 1), 0).astype(jnp.float32))
    vals, inds, eyes = [], [], []
    for r in range(TOPK):
        m = jnp.min(d, axis=1, keepdims=True)
        j = jnp.min(jnp.where(d == m, ii, jnp.float32(N)), axis=1,
                    keepdims=True)
        vals.append(m)
        inds.append(j)
        eyes.append((j == rows).astype(jnp.float32))
        if r + 1 < TOPK:
            d = jnp.where(ii == j, jnp.float32(jnp.inf), d)
    inds_ref[...] = jnp.concatenate(inds, axis=1).astype(jnp.int32)
    dv_ref[...] = jnp.concatenate(vals, axis=1)
    eye_ref[...] = jnp.concatenate(eyes, axis=1)
    a_ref[...] = jnp.dot(s, w1a_ref[...], precision=_HIGH,
                         preferred_element_type=jnp.float32)


def _topk(states, sxyT, w1a):
    grid = (N // RBLK,)
    return pl.pallas_call(
        _topk_body,
        grid=grid,
        in_specs=[
            pl.BlockSpec((RBLK, 4), lambda i: (i, 0)),
            pl.BlockSpec((2, N), lambda i: (0, 0)),
            pl.BlockSpec((4, 64), lambda i: (0, 0)),
        ],
        out_specs=[
            pl.BlockSpec((RBLK, TOPK), lambda i: (i, 0)),
            pl.BlockSpec((RBLK, TOPK), lambda i: (i, 0)),
            pl.BlockSpec((RBLK, TOPK), lambda i: (i, 0)),
            pl.BlockSpec((RBLK, GD), lambda i: (i, 0)),
        ],
        out_shape=[
            jax.ShapeDtypeStruct((N, TOPK), jnp.int32),
            jax.ShapeDtypeStruct((N, TOPK), jnp.float32),
            jax.ShapeDtypeStruct((N, TOPK), jnp.float32),
            jax.ShapeDtypeStruct((N, GD), jnp.float32),
        ],
    )(states, sxyT, w1a)


def _sc_gather(table, idx_flat):
    B = TOPK * N
    b_per_w = B // SC_NW
    mesh = plsc.VectorSubcoreMesh(core_axis_name="c", subcore_axis_name="s")

    @functools.partial(
        pl.kernel,
        mesh=mesh,
        out_type=jax.ShapeDtypeStruct((B, GD), jnp.float32),
        scratch_types=[
            pltpu.VMEM((b_per_w,), jnp.int32),
            pltpu.VMEM((b_per_w, GD), jnp.float32),
            pltpu.SemaphoreType.DMA,
        ],
        compiler_params=pltpu.CompilerParams(use_tc_tiling_on_sc=False),
    )
    def gather_kernel(table_hbm, idx_hbm, out_hbm, idx_v, rows_v, sem):
        wid = lax.axis_index("s") * SC_NC + lax.axis_index("c")
        base = wid * b_per_w
        pltpu.sync_copy(idx_hbm.at[pl.ds(base, b_per_w)], idx_v)
        pltpu.async_copy(table_hbm.at[idx_v], rows_v, sem).wait()
        pltpu.sync_copy(rows_v, out_hbm.at[pl.ds(base, b_per_w)])

    return gather_kernel(table, idx_flat)


SLOTS_PER_STEP = 3


def _mlp_body(g_ref, a_ref, dv_ref, eye_ref, w1e_ref, w1d_ref, b1_ref,
              w2_ref, b2_ref, w3_ref, b3_ref, w4_ref, b4_ref, out_ref):
    a = a_ref[...]
    for r in range(SLOTS_PER_STEP):
        g = g_ref[r]
        dv = dv_ref[r]
        ey = eye_ref[r]
        pre1 = (a - g) + ey * w1e_ref[...] + (dv - 0.1) * w1d_ref[...] + b1_ref[...]
        h = jnp.maximum(pre1, 0.0)
        h = jnp.maximum(_dot3(h, w2_ref[...]) + b2_ref[...], 0.0)
        h = jnp.maximum(_dot3(h, w3_ref[...]) + b3_ref[...], 0.0)
        h4 = jnp.sum(h * w4_ref[...], axis=1, keepdims=True) + b4_ref[...]
        out_ref[r] = h4 * (dv <= 1.0).astype(jnp.float32)


def _mlp(g3, a, dvT, eyeT, w1e, w1d, b1, w2, b2, w3, b3, w4, b4):
    full = lambda shape: pl.BlockSpec(shape, lambda r: (0,) * len(shape))
    slot = lambda shape: pl.BlockSpec(shape, lambda r: (r, 0, 0))
    return pl.pallas_call(
        _mlp_body,
        grid=(TOPK // SLOTS_PER_STEP,),
        in_specs=[
            slot((SLOTS_PER_STEP, N, GD)),
            full((N, 64)),
            slot((SLOTS_PER_STEP, N, 1)),
            slot((SLOTS_PER_STEP, N, 1)),
            full((1, 64)),
            full((1, 64)),
            full((1, 64)),
            full((64, 128)),
            full((1, 128)),
            full((128, 64)),
            full((1, 64)),
            full((1, 64)),
            full((1, 1)),
        ],
        out_specs=slot((SLOTS_PER_STEP, N, 1)),
        out_shape=jax.ShapeDtypeStruct((TOPK, N, 1), jnp.float32),
    )(g3, a, dvT, eyeT, w1e, w1d, b1, w2, b2, w3, b3, w4, b4)


def kernel(states, W1, b1, W2, b2, W3, b3, W4, b4):
    sxyT = states[:, :2].T
    w1a = W1[:4]
    w1e = W1[4:5]
    w1d = W1[5:6]
    inds, dv, eye, a = _topk(states, sxyT, w1a)
    idx_flat = inds.T.reshape(-1)
    g = _sc_gather(a, idx_flat)
    out = _mlp(
        g.reshape(TOPK, N, GD), a,
        dv.T.reshape(TOPK, N, 1), eye.T.reshape(TOPK, N, 1),
        w1e, w1d, b1.reshape(1, 64),
        W2, b2.reshape(1, 128), W3, b3.reshape(1, 64),
        W4.T, b4.reshape(1, 1),
    )
    return out.transpose(1, 0, 2)

# --- scband reference (transcript-rebuilt; emitter-appended) ---
"""Pipeline reference for scband-cbf-31937376813309 (READ-ONLY COPY).

The authoritative reference and input builder live on the scoring server;
editing this copy changes nothing except your own understanding.
"""

import jax, jax.numpy as jnp
import numpy as np

DIST_MIN_THRES = 0.1
OBS_RADIUS = 1.0
TOP_K = 12


def remove_distant_agents(x, k):
    # x: [N, N, D]; keep k closest agents per row by xy-distance
    d = jnp.sqrt(jnp.sum(jnp.square(x[:, :, :2]) + 0.0001, axis=2))
    _, idx = jax.lax.top_k(-d, k)
    x_sel = jnp.take_along_axis(x, idx[:, :, None], axis=1)
    return x_sel, idx


def setup_inputs(seed: int = 0) -> dict:
    key = jax.random.key(seed)
    ks = jax.random.split(key, 9)
    N = 2048
    in_dim = 6
    states = jax.random.normal(ks[0], (N, 4), dtype=jnp.float32)
    W1 = jax.random.normal(ks[1], (in_dim, 64), dtype=jnp.float32) * 0.1
    b1 = jnp.zeros((64,), dtype=jnp.float32)
    W2 = jax.random.normal(ks[2], (64, 128), dtype=jnp.float32) * 0.1
    b2 = jnp.zeros((128,), dtype=jnp.float32)
    W3 = jax.random.normal(ks[3], (128, 64), dtype=jnp.float32) * 0.1
    b3 = jnp.zeros((64,), dtype=jnp.float32)
    W4 = jax.random.normal(ks[4], (64, 1), dtype=jnp.float32) * 0.1
    b4 = jnp.zeros((1,), dtype=jnp.float32)
    return {"states": states, "W1": W1, "b1": b1, "W2": W2, "b2": b2,
            "W3": W3, "b3": b3, "W4": W4, "b4": b4}


def reference(states, W1, b1, W2, b2, W3, b3, W4, b4):
    n = states.shape[0]
    # pairwise differences [N, N, state_dim]
    x = states[:, None, :] - states[None, :, :]
    d_norm = jnp.sqrt(jnp.sum(jnp.square(x[:, :, :2]) + 0.0001, axis=2))
    eye = jnp.eye(n, dtype=x.dtype)
    x = jnp.concatenate([x, eye[:, :, None], (d_norm - DIST_MIN_THRES)[:, :, None]], axis=2)
    # top-k masking: keep TOP_K nearest agents per row
    x, _ = remove_distant_agents(x, TOP_K)
    dist = jnp.sqrt(jnp.sum(jnp.square(x[:, :, :2]) + 0.0001, axis=2, keepdims=True))
    mask = (dist <= OBS_RADIUS).astype(jnp.float32)
    # cbf_net: Conv1d with kernel_size 1 over neighbor axis == pointwise MLP
    h = jax.nn.relu(x @ W1 + b1)
    h = jax.nn.relu(h @ W2 + b2)
    h = jax.nn.relu(h @ W3 + b3)
    h = h @ W4 + b4
    h = h * mask
    return h

if __name__ == "__main__":
    import jax
    _d = setup_inputs()
    print(jax.jit(kernel)(*tuple(_d.values())))

</pallas_src>

<mosaic_0001>
#map = affine_map<(d0, d1) -> (0, 0)>
#map1 = affine_map<(d0, d1) -> (0)>
module attributes {stable_mosaic.version = 14 : i64} {
  func.func @gather_kernel(%arg0: i32, %arg1: i32, %arg2: memref<2048x64xf32, #tpu.memory_space<hbm>>, %arg3: memref<24576xi32, #tpu.memory_space<hbm>>, %arg4: memref<24576x64xf32, #tpu.memory_space<hbm>>, %arg5: memref<768xi32, #tpu.memory_space<vmem>>, %arg6: memref<768x64xf32, #tpu.memory_space<vmem>>, %arg7: memref<!tpu.dma_semaphore, #tpu.memory_space<semaphore_mem>>) attributes {dimension_semantics = [#tpu.dimension_semantics<core_parallel>, #tpu.dimension_semantics<subcore_parallel>], iteration_bounds = array<i64: 2, 16>, scalar_prefetch = 0 : i64, scratch_operands = 3 : i64, tpu.core_type = #tpu.core_type<sc_vector_subcore>, window_params = [{transform_indices = #map}, {transform_indices = #map1}, {transform_indices = #map}]} {
    %mul3A = arith.constant 2 : i32
    %mul3A_0 = arith.muli %arg1, %mul3A : i32
    %add3A = arith.addi %mul3A_0, %arg0 : i32
    %mul3A_1 = arith.constant 768 : i32
    %mul3A_2 = arith.muli %add3A, %mul3A_1 : i32
    "tpu.region"() ({
      %run_scoped3A = tpu.sem_alloc : memref<!tpu.dma_semaphore, #tpu.memory_space<semaphore_mem>>
      %dma_start3A_7 = tpu.memref_slice %arg3[%mul3A_2] : memref<24576xi32, #tpu.memory_space<hbm>> -> memref<768xi32, #tpu.memory_space<hbm>>
      %dma_start3A_8 = tpu.memref_slice %arg3[%mul3A_2] : memref<24576xi32, #tpu.memory_space<hbm>> -> memref<768xi32, #tpu.memory_space<hbm>>
      tpu.enqueue_dma source(%dma_start3A_8 : memref<768xi32, #tpu.memory_space<hbm>>) target(%arg5 : memref<768xi32, #tpu.memory_space<vmem>>) target_semaphore(%run_scoped3A : memref<!tpu.dma_semaphore, #tpu.memory_space<semaphore_mem>>)
      %dma_wait3A_9 = tpu.memref_slice %arg3[%mul3A_2] : memref<24576xi32, #tpu.memory_space<hbm>> -> memref<768xi32, #tpu.memory_space<hbm>>
      %dma_wait3A_10 = tpu.memref_slice %arg3[%mul3A_2] : memref<24576xi32, #tpu.memory_space<hbm>> -> memref<768xi32, #tpu.memory_space<hbm>>
      tpu.wait_dma2 semaphore(%run_scoped3A : memref<!tpu.dma_semaphore, #tpu.memory_space<semaphore_mem>>) src(%dma_wait3A_10 : memref<768xi32, #tpu.memory_space<hbm>>) dst(%arg5 : memref<768xi32, #tpu.memory_space<vmem>>)
      tpu.yield
    }) : () -> ()
    %dma_start3A = arith.constant 0 : i32
    %dma_start3A_3 = arith.constant 0 : i32
    %dma_start3A_4 = tpu.memref_slice %arg2[%dma_start3A, %dma_start3A_3] : memref<2048x64xf32, #tpu.memory_space<hbm>> -> memref<2048x64xf32, #tpu.memory_space<hbm>>
    tpu.enqueue_indirect_dma source(%dma_start3A_4 : memref<2048x64xf32, #tpu.memory_space<hbm>>) target(%arg6 : memref<768x64xf32, #tpu.memory_space<vmem>>) offsets(%arg5 : memref<768xi32, #tpu.memory_space<vmem>>) semaphore(%arg7 : memref<!tpu.dma_semaphore, #tpu.memory_space<semaphore_mem>>)
    %dma_wait3A = arith.constant 0 : i32
    %dma_wait3A_5 = arith.constant 0 : i32
    %dma_wait3A_6 = tpu.memref_slice %arg2[%dma_wait3A, %dma_wait3A_5] : memref<2048x64xf32, #tpu.memory_space<hbm>> -> memref<2048x64xf32, #tpu.memory_space<hbm>>
    tpu.wait_indirect_dma semaphore(%arg7 : memref<!tpu.dma_semaphore, #tpu.memory_space<semaphore_mem>>) src(%dma_wait3A_6 : memref<2048x64xf32, #tpu.memory_space<hbm>>) dst(%arg6 : memref<768x64xf32, #tpu.memory_space<vmem>>)
    "tpu.region"() ({
      %run_scoped3A = tpu.sem_alloc : memref<!tpu.dma_semaphore, #tpu.memory_space<semaphore_mem>>
      %dma_start3A_7 = arith.constant 0 : i32
      %dma_start3A_8 = tpu.memref_slice %arg4[%mul3A_2, %dma_start3A_7] : memref<24576x64xf32, #tpu.memory_space<hbm>> -> memref<768x64xf32, #tpu.memory_space<hbm>>
      %dma_start3A_9 = arith.constant 0 : i32
      %dma_start3A_10 = tpu.memref_slice %arg4[%mul3A_2, %dma_start3A_9] : memref<24576x64xf32, #tpu.memory_space<hbm>> -> memref<768x64xf32, #tpu.memory_space<hbm>>
      tpu.enqueue_dma source(%arg6 : memref<768x64xf32, #tpu.memory_space<vmem>>) target(%dma_start3A_10 : memref<768x64xf32, #tpu.memory_space<hbm>>) target_semaphore(%run_scoped3A : memref<!tpu.dma_semaphore, #tpu.memory_space<semaphore_mem>>)
      %dma_wait3A_11 = arith.constant 0 : i32
      %dma_wait3A_12 = tpu.memref_slice %arg4[%mul3A_2, %dma_wait3A_11] : memref<24576x64xf32, #tpu.memory_space<hbm>> -> memref<768x64xf32, #tpu.memory_space<hbm>>
      %dma_wait3A_13 = arith.constant 0 : i32
      %dma_wait3A_14 = tpu.memref_slice %arg4[%mul3A_2, %dma_wait3A_13] : memref<24576x64xf32, #tpu.memory_space<hbm>> -> memref<768x64xf32, #tpu.memory_space<hbm>>
      tpu.wait_dma2 semaphore(%run_scoped3A : memref<!tpu.dma_semaphore, #tpu.memory_space<semaphore_mem>>) src(%arg6 : memref<768x64xf32, #tpu.memory_space<vmem>>) dst(%dma_wait3A_14 : memref<768x64xf32, #tpu.memory_space<hbm>>)
      tpu.yield
    }) : () -> ()
    return
  }
}

module attributes {stable_mosaic.version = 14 : i64} {
  func.func @_topk_body(%arg0: i32, %arg1: memref<256x4xf32, #tpu.memory_space<vmem>>, %arg2: memref<2x2048xf32, #tpu.memory_space<vmem>>, %arg3: memref<4x64xf32, #tpu.memory_space<vmem>>, %arg4: memref<256x12xi32, #tpu.memory_space<vmem>>, %arg5: memref<256x12xf32, #tpu.memory_space<vmem>>, %arg6: memref<256x12xf32, #tpu.memory_space<vmem>>, %arg7: memref<256x64xf32, #tpu.memory_space<vmem>>) attributes {dimension_semantics = [#tpu.dimension_semantics<arbitrary>], iteration_bounds = array<i64: 8>, scalar_prefetch = 0 : i64, scratch_operands = 0 : i64, tpu.core_type = #tpu.core_type<tc>, window_params = [{transform_indices = @transform_0, window_bounds = array<i64: 256, 4>}, {pipeline_mode = #tpu.pipeline_mode<synchronous>, transform_indices = @transform_1, window_bounds = array<i64: 2, 2048>}, {pipeline_mode = #tpu.pipeline_mode<synchronous>, transform_indices = @transform_2, window_bounds = array<i64: 4, 64>}, {transform_indices = @transform_3, window_bounds = array<i64: 256, 12>}, {transform_indices = @transform_4, window_bounds = array<i64: 256, 12>}, {transform_indices = @transform_5, window_bounds = array<i64: 256, 12>}, {transform_indices = @transform_6, window_bounds = array<i64: 256, 64>}]} {
    %get3A = arith.constant 0 : index
    %get3A_0 = arith.constant 0 : index
    %get3A_1 = vector.load %arg1[%get3A, %get3A_0] : memref<256x4xf32, #tpu.memory_space<vmem>>, vector<256x4xf32>
    %slice3A = vector.extract_strided_slice %get3A_1 {offsets = [0, 0], sizes = [256, 1], strides = [1, 1]} : vector<256x4xf32> to vector<256x1xf32>
    %slice3A_2 = vector.extract_strided_slice %get3A_1 {offsets = [0, 1], sizes = [256, 1], strides = [1, 1]} : vector<256x4xf32> to vector<256x1xf32>
    %get3A_3 = arith.constant 0 : index
    %get3A_4 = arith.constant 0 : index
    %get3A_5 = vector.load %arg2[%get3A_3, %get3A_4] : memref<2x2048xf32, #tpu.memory_space<vmem>>, vector<1x2048xf32>
    %get3A_6 = arith.constant 1 : index
    %get3A_7 = arith.constant 0 : index
    %get3A_8 = vector.load %arg2[%get3A_6, %get3A_7] : memref<2x2048xf32, #tpu.memory_space<vmem>>, vector<1x2048xf32>
    %sub3A = vector.broadcast %slice3A : vector<256x1xf32> to vector<256x2048xf32>
    %sub3A_9 = vector.broadcast %get3A_5 : vector<1x2048xf32> to vector<256x2048xf32>
    %sub3A_10 = arith.subf %sub3A, %sub3A_9 : vector<256x2048xf32>
    %sub3A_11 = vector.broadcast %slice3A_2 : vector<256x1xf32> to vector<256x2048xf32>
    %sub3A_12 = vector.broadcast %get3A_8 : vector<1x2048xf32> to vector<256x2048xf32>
    %sub3A_13 = arith.subf %sub3A_11, %sub3A_12 : vector<256x2048xf32>
    %mul3A = arith.mulf %sub3A_10, %sub3A_10 : vector<256x2048xf32>
    %add3A = arith.constant 9.99999974E-5 : f32
    %add3A_14 = vector.broadcast %add3A : f32 to vector<256x2048xf32>
    %add3A_15 = arith.addf %mul3A, %add3A_14 : vector<256x2048xf32>
    %mul3A_16 = arith.mulf %sub3A_13, %sub3A_13 : vector<256x2048xf32>
    %add3A_17 = arith.constant 9.99999974E-5 : f32
    %add3A_18 = vector.broadcast %add3A_17 : f32 to vector<256x2048xf32>
    %add3A_19 = arith.addf %mul3A_16, %add3A_18 : vector<256x2048xf32>
    %add3A_20 = arith.addf %add3A_15, %add3A_19 : vector<256x2048xf32>
    %sqrt3A = math.sqrt %add3A_20 : vector<256x2048xf32>
    %iota3A = tpu.iota {dimensions = array<i32: 1>} : vector<256x2048xi32>
    %convert_element_type3A = arith.sitofp %iota3A : vector<256x2048xi32> to vector<256x2048xf32>
    %mul3A_21 = arith.constant 256 : i32
    %mul3A_22 = arith.muli %arg0, %mul3A_21 : i32
    %convert_element_type3A_23 = arith.sitofp %mul3A_22 : i32 to f32
    %iota3A_24 = tpu.iota {dimensions = array<i32: 0>} : vector<256x1xi32>
    %convert_element_type3A_25 = arith.sitofp %iota3A_24 : vector<256x1xi32> to vector<256x1xf32>
    %add3A_26 = vector.broadcast %convert_element_type3A_23 : f32 to vector<256x1xf32>
    %add3A_27 = arith.addf %add3A_26, %convert_element_type3A_25 : vector<256x1xf32>
    %reduce_min3A = arith.constant dense<0x7F800000> : vector<256xf32>
    %reduce_min3A_28 = vector.multi_reduction <minimumf>, %sqrt3A, %reduce_min3A [1] : vector<256x2048xf32> to vector<256xf32>
    %broadcast_in_dim3A = vector.shape_cast %reduce_min3A_28 : vector<256xf32> to vector<256x1xf32>
    %eq3A = vector.broadcast %broadcast_in_dim3A : vector<256x1xf32> to vector<256x2048xf32>
    %eq3A_29 = arith.cmpf oeq, %sqrt3A, %eq3A : vector<256x2048xf32>
    %jit3A = arith.constant 2.048000e+03 : f32
    %broadcast_in_dim3A_30 = vector.broadcast %jit3A : f32 to vector<256x2048xf32>
    %select_n3A = arith.select %eq3A_29, %convert_element_type3A, %broadcast_in_dim3A_30 : vector<256x2048xi1>, vector<256x2048xf32>
    %reduce_min3A_31 = arith.constant dense<0x7F800000> : vector<256xf32>
    %reduce_min3A_32 = vector.multi_reduction <minimumf>, %select_n3A, %reduce_min3A_31 [1] : vector<256x2048xf32> to vector<256xf32>
    %broadcast_in_dim3A_33 = vector.shape_cast %reduce_min3A_32 : vector<256xf32> to vector<256x1xf32>
    %eq3A_34 = arith.cmpf oeq, %broadcast_in_dim3A_33, %add3A_27 : vector<256x1xf32>
    %convert_element_type3A_35 = arith.extui %eq3A_34 : vector<256x1xi1> to vector<256x1xi32>
    %convert_element_type3A_36 = arith.sitofp %convert_element_type3A_35 : vector<256x1xi32> to vector<256x1xf32>
    %eq3A_37 = vector.broadcast %broadcast_in_dim3A_33 : vector<256x1xf32> to vector<256x2048xf32>
    %eq3A_38 = arith.cmpf oeq, %convert_element_type3A, %eq3A_37 : vector<256x2048xf32>
    %jit3A_39 = arith.constant 0x7F800000 : f32
    %broadcast_in_dim3A_40 = vector.broadcast %jit3A_39 : f32 to vector<256x2048xf32>
    %select_n3A_41 = arith.select %eq3A_38, %broadcast_in_dim3A_40, %sqrt3A : vector<256x2048xi1>, vector<256x2048xf32>
    %reduce_min3A_42 = arith.constant dense<0x7F800000> : vector<256xf32>
    %reduce_min3A_43 = vector.multi_reduction <minimumf>, %select_n3A_41, %reduce_min3A_42 [1] : vector<256x2048xf32> to vector<256xf32>
    %broadcast_in_dim3A_44 = vector.shape_cast %reduce_min3A_43 : vector<256xf32> to vector<256x1xf32>
    %eq3A_45 = vector.broadcast %broadcast_in_dim3A_44 : vector<256x1xf32> to vector<256x2048xf32>
    %eq3A_46 = arith.cmpf oeq, %select_n3A_41, %eq3A_45 : vector<256x2048xf32>
    %jit3A_47 = arith.constant 2.048000e+03 : f32
    %broadcast_in_dim3A_48 = vector.broadcast %jit3A_47 : f32 to vector<256x2048xf32>
    %select_n3A_49 = arith.select %eq3A_46, %convert_element_type3A, %broadcast_in_dim3A_48 : vector<256x2048xi1>, vector<256x2048xf32>
    %reduce_min3A_50 = arith.constant dense<0x7F800000> : vector<256xf32>
    %reduce_min3A_51 = vector.multi_reduction <minimumf>, %select_n3A_49, %reduce_min3A_50 [1] : vector<256x2048xf32> to vector<256xf32>
    %broadcast_in_dim3A_52 = vector.shape_cast %reduce_min3A_51 : vector<256xf32> to vector<256x1xf32>
    %eq3A_53 = arith.cmpf oeq, %broadcast_in_dim3A_52, %add3A_27 : vector<256x1xf32>
    %convert_element_type3A_54 = arith.extui %eq3A_53 : vector<256x1xi1> to vector<256x1xi32>
    %convert_element_type3A_55 = arith.sitofp %convert_element_type3A_54 : vector<256x1xi32> to vector<256x1xf32>
    %eq3A_56 = vector.broadcast %broadcast_in_dim3A_52 : vector<256x1xf32> to vector<256x2048xf32>
    %eq3A_57 = arith.cmpf oeq, %convert_element_type3A, %eq3A_56 : vector<256x2048xf32>
    %jit3A_58 = arith.constant 0x7F800000 : f32
    %broadcast_in_dim3A_59 = vector.broadcast %jit3A_58 : f32 to vector<256x2048xf32>
    %select_n3A_60 = arith.select %eq3A_57, %broadcast_in_dim3A_59, %select_n3A_41 : vector<256x2048xi1>, vector<256x2048xf32>
    %reduce_min3A_61 = arith.constant dense<0x7F800000> : vector<256xf32>
    %reduce_min3A_62 = vector.multi_reduction <minimumf>, %select_n3A_60, %reduce_min3A_61 [1] : vector<256x2048xf32> to vector<256xf32>
    %broadcast_in_dim3A_63 = vector.shape_cast %reduce_min3A_62 : vector<256xf32> to vector<256x1xf32>
    %eq3A_64 = vector.broadcast %broadcast_in_dim3A_63 : vector<256x1xf32> to vector<256x2048xf32>
    %eq3A_65 = arith.cmpf oeq, %select_n3A_60, %eq3A_64 : vector<256x2048xf32>
    %jit3A_66 = arith.constant 2.048000e+03 : f32
    %broadcast_in_dim3A_67 = vector.broadcast %jit3A_66 : f32 to vector<256x2048xf32>
    %select_n3A_68 = arith.select %eq3A_65, %convert_element_type3A, %broadcast_in_dim3A_67 : vector<256x2048xi1>, vector<256x2048xf32>
    %reduce_min3A_69 = arith.constant dense<0x7F800000> : vector<256xf32>
    %reduce_min3A_70 = vector.multi_reduction <minimumf>, %select_n3A_68, %reduce_min3A_69 [1] : vector<256x2048xf32> to vector<256xf32>
    %broadcast_in_dim3A_71 = vector.shape_cast %reduce_min3A_70 : vector<256xf32> to vector<256x1xf32>
    %eq3A_72 = arith.cmpf oeq, %broadcast_in_dim3A_71, %add3A_27 : vector<256x1xf32>
    %convert_element_type3A_73 = arith.extui %eq3A_72 : vector<256x1xi1> to vector<256x1xi32>
    %convert_element_type3A_74 = arith.sitofp %convert_element_type3A_73 : vector<256x1xi32> to vector<256x1xf32>
    %eq3A_75 = vector.broadcast %broadcast_in_dim3A_71 : vector<256x1xf32> to vector<256x2048xf32>
    %eq3A_76 = arith.cmpf oeq, %convert_element_type3A, %eq3A_75 : vector<256x2048xf32>
    %jit3A_77 = arith.constant 0x7F800000 : f32
    %broadcast_in_dim3A_78 = vector.broadcast %jit3A_77 : f32 to vector<256x2048xf32>
    %select_n3A_79 = arith.select %eq3A_76, %broadcast_in_dim3A_78, %select_n3A_60 : vector<256x2048xi1>, vector<256x2048xf32>
    %reduce_min3A_80 = arith.constant dense<0x7F800000> : vector<256xf32>
    %reduce_min3A_81 = vector.multi_reduction <minimumf>, %select_n3A_79, %reduce_min3A_80 [1] : vector<256x2048xf32> to vector<256xf32>
    %broadcast_in_dim3A_82 = vector.shape_cast %reduce_min3A_81 : vector<256xf32> to vector<256x1xf32>
    %eq3A_83 = vector.broadcast %broadcast_in_dim3A_82 : vector<256x1xf32> to vector<256x2048xf32>
    %eq3A_84 = arith.cmpf oeq, %select_n3A_79, %eq3A_83 : vector<256x2048xf32>
    %jit3A_85 = arith.constant 2.048000e+03 : f32
    %broadcast_in_dim3A_86 = vector.broadcast %jit3A_85 : f32 to vector<256x2048xf32>
    %select_n3A_87 = arith.select %eq3A_84, %convert_element_type3A, %broadcast_in_dim3A_86 : vector<256x2048xi1>, vector<256x2048xf32>
    %reduce_min3A_88 = arith.constant dense<0x7F800000> : vector<256xf32>
    %reduce_min3A_89 = vector.multi_reduction <minimumf>, %select_n3A_87, %reduce_min3A_88 [1] : vector<256x2048xf32> to vector<256xf32>
    %broadcast_in_dim3A_90 = vector.shape_cast %reduce_min3A_89 : vector<256xf32> to vector<256x1xf32>
    %eq3A_91 = arith.cmpf oeq, %broadcast_in_dim3A_90, %add3A_27 : vector<256x1xf32>
    %convert_element_type3A_92 = arith.extui %eq3A_91 : vector<256x1xi1> to vector<256x1xi32>
    %convert_element_type3A_93 = arith.sitofp %convert_element_type3A_92 : vector<256x1xi32> to vector<256x1xf32>
    %eq3A_94 = vector.broadcast %broadcast_in_dim3A_90 : vector<256x1xf32> to vector<256x2048xf32>
    %eq3A_95 = arith.cmpf oeq, %convert_element_type3A, %eq3A_94 : vector<256x2048xf32>
    %jit3A_96 = arith.constant 0x7F800000 : f32
    %broadcast_in_dim3A_97 = vector.broadcast %jit3A_96 : f32 to vector<256x2048xf32>
    %select_n3A_98 = arith.select %eq3A_95, %broadcast_in_dim3A_97, %select_n3A_79 : vector<256x2048xi1>, vector<256x2048xf32>
    %reduce_min3A_99 = arith.constant dense<0x7F800000> : vector<256xf32>
    %reduce_min3A_100 = vector.multi_reduction <minimumf>, %select_n3A_98, %reduce_min3A_99 [1] : vector<256x2048xf32> to vector<256xf32>
    %broadcast_in_dim3A_101 = vector.shape_cast %reduce_min3A_100 : vector<256xf32> to vector<256x1xf32>
    %eq3A_102 = vector.broadcast %broadcast_in_dim3A_101 : vector<256x1xf32> to vector<256x2048xf32>
    %eq3A_103 = arith.cmpf oeq, %select_n3A_98, %eq3A_102 : vector<256x2048xf32>
    %jit3A_104 = arith.constant 2.048000e+03 : f32
    %broadcast_in_dim3A_105 = vector.broadcast %jit3A_104 : f32 to vector<256x2048xf32>
    %select_n3A_106 = arith.select %eq3A_103, %convert_element_type3A, %broadcast_in_dim3A_105 : vector<256x2048xi1>, vector<256x2048xf32>
    %reduce_min3A_107 = arith.constant dense<0x7F800000> : vector<256xf32>
    %reduce_min3A_108 = vector.multi_reduction <minimumf>, %select_n3A_106, %reduce_min3A_107 [1] : vector<256x2048xf32> to vector<256xf32>
    %broadcast_in_dim3A_109 = vector.shape_cast %reduce_min3A_108 : vector<256xf32> to vector<256x1xf32>
    %eq3A_110 = arith.cmpf oeq, %broadcast_in_dim3A_109, %add3A_27 : vector<256x1xf32>
    %convert_element_type3A_111 = arith.extui %eq3A_110 : vector<256x1xi1> to vector<256x1xi32>
    %convert_element_type3A_112 = arith.sitofp %convert_element_type3A_111 : vector<256x1xi32> to vector<256x1xf32>
    %eq3A_113 = vector.broadcast %broadcast_in_dim3A_109 : vector<256x1xf32> to vector<256x2048xf32>
    %eq3A_114 = arith.cmpf oeq, %convert_element_type3A, %eq3A_113 : vector<256x2048xf32>
    %jit3A_115 = arith.constant 0x7F800000 : f32
    %broadcast_in_dim3A_116 = vector.broadcast %jit3A_115 : f32 to vector<256x2048xf32>
    %select_n3A_117 = arith.select %eq3A_114, %broadcast_in_dim3A_116, %select_n3A_98 : vector<256x2048xi1>, vector<256x2048xf32>
    %reduce_min3A_118 = arith.constant dense<0x7F800000> : vector<256xf32>
    %reduce_min3A_119 = vector.multi_reduction <minimumf>, %select_n3A_117, %reduce_min3A_118 [1] : vector<256x2048xf32> to vector<256xf32>
    %broadcast_in_dim3A_120 = vector.shape_cast %reduce_min3A_119 : vector<256xf32> to vector<256x1xf32>
    %eq3A_121 = vector.broadcast %broadcast_in_dim3A_120 : vector<256x1xf32> to vector<256x2048xf32>
    %eq3A_122 = arith.cmpf oeq, %select_n3A_117, %eq3A_121 : vector<256x2048xf32>
    %jit3A_123 = arith.constant 2.048000e+03 : f32
    %broadcast_in_dim3A_124 = vector.broadcast %jit3A_123 : f32 to vector<256x2048xf32>
    %select_n3A_125 = arith.select %eq3A_122, %convert_element_type3A, %broadcast_in_dim3A_124 : vector<256x2048xi1>, vector<256x2048xf32>
    %reduce_min3A_126 = arith.constant dense<0x7F800000> : vector<256xf32>
    %reduce_min3A_127 = vector.multi_reduction <minimumf>, %select_n3A_125, %reduce_min3A_126 [1] : vector<256x2048xf32> to vector<256xf32>
    %broadcast_in_dim3A_128 = vector.shape_cast %reduce_min3A_127 : vector<256xf32> to vector<256x1xf32>
    %eq3A_129 = arith.cmpf oeq, %broadcast_in_dim3A_128, %add3A_27 : vector<256x1xf32>
    %convert_element_type3A_130 = arith.extui %eq3A_129 : vector<256x1xi1> to vector<256x1xi32>
    %convert_element_type3A_131 = arith.sitofp %convert_element_type3A_130 : vector<256x1xi32> to vector<256x1xf32>
    %eq3A_132 = vector.broadcast %broadcast_in_dim3A_128 : vector<256x1xf32> to vector<256x2048xf32>
    %eq3A_133 = arith.cmpf oeq, %convert_element_type3A, %eq3A_132 : vector<256x2048xf32>
    %jit3A_134 = arith.constant 0x7F800000 : f32
    %broadcast_in_dim3A_135 = vector.broadcast %jit3A_134 : f32 to vector<256x2048xf32>
    %select_n3A_136 = arith.select %eq3A_133, %broadcast_in_dim3A_135, %select_n3A_117 : vector<256x2048xi1>, vector<256x2048xf32>
    %reduce_min3A_137 = arith.constant dense<0x7F800000> : vector<256xf32>
    %reduce_min3A_138 = vector.multi_reduction <minimumf>, %select_n3A_136, %reduce_min3A_137 [1] : vector<256x2048xf32> to vector<256xf32>
    %broadcast_in_dim3A_139 = vector.shape_cast %reduce_min3A_138 : vector<256xf32> to vector<256x1xf32>
    %eq3A_140 = vector.broadcast %broadcast_in_dim3A_139 : vector<256x1xf32> to vector<256x2048xf32>
    %eq3A_141 = arith.cmpf oeq, %select_n3A_136, %eq3A_140 : vector<256x2048xf32>
    %jit3A_142 = arith.constant 2.048000e+03 : f32
    %broadcast_in_dim3A_143 = vector.broadcast %jit3A_142 : f32 to vector<256x2048xf32>
    %select_n3A_144 = arith.select %eq3A_141, %convert_element_type3A, %broadcast_in_dim3A_143 : vector<256x2048xi1>, vector<256x2048xf32>
    %reduce_min3A_145 = arith.constant dense<0x7F800000> : vector<256xf32>
    %reduce_min3A_146 = vector.multi_reduction <minimumf>, %select_n3A_144, %reduce_min3A_145 [1] : vector<256x2048xf32> to vector<256xf32>
    %broadcast_in_dim3A_147 = vector.shape_cast %reduce_min3A_146 : vector<256xf32> to vector<256x1xf32>
    %eq3A_148 = arith.cmpf oeq, %broadcast_in_dim3A_147, %add3A_27 : vector<256x1xf32>
    %convert_element_type3A_149 = arith.extui %eq3A_148 : vector<256x1xi1> to vector<256x1xi32>
    %convert_element_type3A_150 = arith.sitofp %convert_element_type3A_149 : vector<256x1xi32> to vector<256x1xf32>
    %eq3A_151 = vector.broadcast %broadcast_in_dim3A_147 : vector<256x1xf32> to vector<256x2048xf32>
    %eq3A_152 = arith.cmpf oeq, %convert_element_type3A, %eq3A_151 : vector<256x2048xf32>
    %jit3A_153 = arith.constant 0x7F800000 : f32
    %broadcast_in_dim3A_154 = vector.broadcast %jit3A_153 : f32 to vector<256x2048xf32>
    %select_n3A_155 = arith.select %eq3A_152, %broadcast_in_dim3A_154, %select_n3A_136 : vector<256x2048xi1>, vector<256x2048xf32>
    %reduce_min3A_156 = arith.constant dense<0x7F800000> : vector<256xf32>
    %reduce_min3A_157 = vector.multi_reduction <minimumf>, %select_n3A_155, %reduce_min3A_156 [1] : vector<256x2048xf32> to vector<256xf32>
    %broadcast_in_dim3A_158 = vector.shape_cast %reduce_min3A_157 : vector<256xf32> to vector<256x1xf32>
    %eq3A_159 = vector.broadcast %broadcast_in_dim3A_158 : vector<256x1xf32> to vector<256x2048xf32>
    %eq3A_160 = arith.cmpf oeq, %select_n3A_155, %eq3A_159 : vector<256x2048xf32>
    %jit3A_161 = arith.constant 2.048000e+03 : f32
    %broadcast_in_dim3A_162 = vector.broadcast %jit3A_161 : f32 to vector<256x2048xf32>
    %select_n3A_163 = arith.select %eq3A_160, %convert_element_type3A, %broadcast_in_dim3A_162 : vector<256x2048xi1>, vector<256x2048xf32>
    %reduce_min3A_164 = arith.constant dense<0x7F800000> : vector<256xf32>
    %reduce_min3A_165 = vector.multi_reduction <minimumf>, %select_n3A_163, %reduce_min3A_164 [1] : vector<256x2048xf32> to vector<256xf32>
    %broadcast_in_dim3A_166 = vector.shape_cast %reduce_min3A_165 : vector<256xf32> to vector<256x1xf32>
    %eq3A_167 = arith.cmpf oeq, %broadcast_in_dim3A_166, %add3A_27 : vector<256x1xf32>
    %convert_element_type3A_168 = arith.extui %eq3A_167 : vector<256x1xi1> to vector<256x1xi32>
    %convert_element_type3A_169 = arith.sitofp %convert_element_type3A_168 : vector<256x1xi32> to vector<256x1xf32>
    %eq3A_170 = vector.broadcast %broadcast_in_dim3A_166 : vector<256x1xf32> to vector<256x2048xf32>
    %eq3A_171 = arith.cmpf oeq, %convert_element_type3A, %eq3A_170 : vector<256x2048xf32>
    %jit3A_172 = arith.constant 0x7F800000 : f32
    %broadcast_in_dim3A_173 = vector.broadcast %jit3A_172 : f32 to vector<256x2048xf32>
    %select_n3A_174 = arith.select %eq3A_171, %broadcast_in_dim3A_173, %select_n3A_155 : vector<256x2048xi1>, vector<256x2048xf32>
    %reduce_min3A_175 = arith.constant dense<0x7F800000> : vector<256xf32>
    %reduce_min3A_176 = vector.multi_reduction <minimumf>, %select_n3A_174, %reduce_min3A_175 [1] : vector<256x2048xf32> to vector<256xf32>
    %broadcast_in_dim3A_177 = vector.shape_cast %reduce_min3A_176 : vector<256xf32> to vector<256x1xf32>
    %eq3A_178 = vector.broadcast %broadcast_in_dim3A_177 : vector<256x1xf32> to vector<256x2048xf32>
    %eq3A_179 = arith.cmpf oeq, %select_n3A_174, %eq3A_178 : vector<256x2048xf32>
    %jit3A_180 = arith.constant 2.048000e+03 : f32
    %broadcast_in_dim3A_181 = vector.broadcast %jit3A_180 : f32 to vector<256x2048xf32>
    %select_n3A_182 = arith.select %eq3A_179, %convert_element_type3A, %broadcast_in_dim3A_181 : vector<256x2048xi1>, vector<256x2048xf32>
    %reduce_min3A_183 = arith.constant dense<0x7F800000> : vector<256xf32>
    %reduce_min3A_184 = vector.multi_reduction <minimumf>, %select_n3A_182, %reduce_min3A_183 [1] : vector<256x2048xf32> to vector<256xf32>
    %broadcast_in_dim3A_185 = vector.shape_cast %reduce_min3A_184 : vector<256xf32> to vector<256x1xf32>
    %eq3A_186 = arith.cmpf oeq, %broadcast_in_dim3A_185, %add3A_27 : vector<256x1xf32>
    %convert_element_type3A_187 = arith.extui %eq3A_186 : vector<256x1xi1> to vector<256x1xi32>
    %convert_element_type3A_188 = arith.sitofp %convert_element_type3A_187 : vector<256x1xi32> to vector<256x1xf32>
    %eq3A_189 = vector.broadcast %broadcast_in_dim3A_185 : vector<256x1xf32> to vector<256x2048xf32>
    %eq3A_190 = arith.cmpf oeq, %convert_element_type3A, %eq3A_189 : vector<256x2048xf32>
    %jit3A_191 = arith.constant 0x7F800000 : f32
    %broadcast_in_dim3A_192 = vector.broadcast %jit3A_191 : f32 to vector<256x2048xf32>
    %select_n3A_193 = arith.select %eq3A_190, %broadcast_in_dim3A_192, %select_n3A_174 : vector<256x2048xi1>, vector<256x2048xf32>
    %reduce_min3A_194 = arith.constant dense<0x7F800000> : vector<256xf32>
    %reduce_min3A_195 = vector.multi_reduction <minimumf>, %select_n3A_193, %reduce_min3A_194 [1] : vector<256x2048xf32> to vector<256xf32>
    %broadcast_in_dim3A_196 = vector.shape_cast %reduce_min3A_195 : vector<256xf32> to vector<256x1xf32>
    %eq3A_197 = vector.broadcast %broadcast_in_dim3A_196 : vector<256x1xf32> to vector<256x2048xf32>
    %eq3A_198 = arith.cmpf oeq, %select_n3A_193, %eq3A_197 : vector<256x2048xf32>
    %jit3A_199 = arith.constant 2.048000e+03 : f32
    %broadcast_in_dim3A_200 = vector.broadcast %jit3A_199 : f32 to vector<256x2048xf32>
    %select_n3A_201 = arith.select %eq3A_198, %convert_element_type3A, %broadcast_in_dim3A_200 : vector<256x2048xi1>, vector<256x2048xf32>
    %reduce_min3A_202 = arith.constant dense<0x7F800000> : vector<256xf32>
    %reduce_min3A_203 = vector.multi_reduction <minimumf>, %select_n3A_201, %reduce_min3A_202 [1] : vector<256x2048xf32> to vector<256xf32>
    %broadcast_in_dim3A_204 = vector.shape_cast %reduce_min3A_203 : vector<256xf32> to vector<256x1xf32>
    %eq3A_205 = arith.cmpf oeq, %broadcast_in_dim3A_204, %add3A_27 : vector<256x1xf32>
    %convert_element_type3A_206 = arith.extui %eq3A_205 : vector<256x1xi1> to vector<256x1xi32>
    %convert_element_type3A_207 = arith.sitofp %convert_element_type3A_206 : vector<256x1xi32> to vector<256x1xf32>
    %eq3A_208 = vector.broadcast %broadcast_in_dim3A_204 : vector<256x1xf32> to vector<256x2048xf32>
    %eq3A_209 = arith.cmpf oeq, %convert_element_type3A, %eq3A_208 : vector<256x2048xf32>
    %jit3A_210 = arith.constant 0x7F800000 : f32
    %broadcast_in_dim3A_211 = vector.broadcast %jit3A_210 : f32 to vector<256x2048xf32>
    %select_n3A_212 = arith.select %eq3A_209, %broadcast_in_dim3A_211, %select_n3A_193 : vector<256x2048xi1>, vector<256x2048xf32>
    %reduce_min3A_213 = arith.constant dense<0x7F800000> : vector<256xf32>
    %reduce_min3A_214 = vector.multi_reduction <minimumf>, %select_n3A_212, %reduce_min3A_213 [1] : vector<256x2048xf32> to vector<256xf32>
    %broadcast_in_dim3A_215 = vector.shape_cast %reduce_min3A_214 : vector<256xf32> to vector<256x1xf32>
    %eq3A_216 = vector.broadcast %broadcast_in_dim3A_215 : vector<256x1xf32> to vector<256x2048xf32>
    %eq3A_217 = arith.cmpf oeq, %select_n3A_212, %eq3A_216 : vector<256x2048xf32>
    %jit3A_218 = arith.constant 2.048000e+03 : f32
    %broadcast_in_dim3A_219 = vector.broadcast %jit3A_218 : f32 to vector<256x2048xf32>
    %select_n3A_220 = arith.select %eq3A_217, %convert_element_type3A, %broadcast_in_dim3A_219 : vector<256x2048xi1>, vector<256x2048xf32>
    %reduce_min3A_221 = arith.constant dense<0x7F800000> : vector<256xf32>
    %reduce_min3A_222 = vector.multi_reduction <minimumf>, %select_n3A_220, %reduce_min3A_221 [1] : vector<256x2048xf32> to vector<256xf32>
    %broadcast_in_dim3A_223 = vector.shape_cast %reduce_min3A_222 : vector<256xf32> to vector<256x1xf32>
    %eq3A_224 = arith.cmpf oeq, %broadcast_in_dim3A_223, %add3A_27 : vector<256x1xf32>
    %convert_element_type3A_225 = arith.extui %eq3A_224 : vector<256x1xi1> to vector<256x1xi32>
    %convert_element_type3A_226 = arith.sitofp %convert_element_type3A_225 : vector<256x1xi32> to vector<256x1xf32>
    %eq3A_227 = vector.broadcast %broadcast_in_dim3A_223 : vector<256x1xf32> to vector<256x2048xf32>
    %eq3A_228 = arith.cmpf oeq, %convert_element_type3A, %eq3A_227 : vector<256x2048xf32>
    %jit3A_229 = arith.constant 0x7F800000 : f32
    %broadcast_in_dim3A_230 = vector.broadcast %jit3A_229 : f32 to vector<256x2048xf32>
    %select_n3A_231 = arith.select %eq3A_228, %broadcast_in_dim3A_230, %select_n3A_212 : vector<256x2048xi1>, vector<256x2048xf32>
    %reduce_min3A_232 = arith.constant dense<0x7F800000> : vector<256xf32>
    %reduce_min3A_233 = vector.multi_reduction <minimumf>, %select_n3A_231, %reduce_min3A_232 [1] : vector<256x2048xf32> to vector<256xf32>
    %broadcast_in_dim3A_234 = vector.shape_cast %reduce_min3A_233 : vector<256xf32> to vector<256x1xf32>
    %eq3A_235 = vector.broadcast %broadcast_in_dim3A_234 : vector<256x1xf32> to vector<256x2048xf32>
    %eq3A_236 = arith.cmpf oeq, %select_n3A_231, %eq3A_235 : vector<256x2048xf32>
    %jit3A_237 = arith.constant 2.048000e+03 : f32
    %broadcast_in_dim3A_238 = vector.broadcast %jit3A_237 : f32 to vector<256x2048xf32>
    %select_n3A_239 = arith.select %eq3A_236, %convert_element_type3A, %broadcast_in_dim3A_238 : vector<256x2048xi1>, vector<256x2048xf32>
    %reduce_min3A_240 = arith.constant dense<0x7F800000> : vector<256xf32>
    %reduce_min3A_241 = vector.multi_reduction <minimumf>, %select_n3A_239, %reduce_min3A_240 [1] : vector<256x2048xf32> to vector<256xf32>
    %broadcast_in_dim3A_242 = vector.shape_cast %reduce_min3A_241 : vector<256xf32> to vector<256x1xf32>
    %eq3A_243 = arith.cmpf oeq, %broadcast_in_dim3A_242, %add3A_27 : vector<256x1xf32>
    %convert_element_type3A_244 = arith.extui %eq3A_243 : vector<256x1xi1> to vector<256x1xi32>
    %convert_element_type3A_245 = arith.sitofp %convert_element_type3A_244 : vector<256x1xi32> to vector<256x1xf32>
    %concatenate3A = tpu.concatenate %broadcast_in_dim3A_33, %broadcast_in_dim3A_52, %broadcast_in_dim3A_71, %broadcast_in_dim3A_90, %broadcast_in_dim3A_109, %broadcast_in_dim3A_128, %broadcast_in_dim3A_147, %broadcast_in_dim3A_166, %broadcast_in_dim3A_185, %broadcast_in_dim3A_204, %broadcast_in_dim3A_223, %broadcast_in_dim3A_242 in 1 : vector<256x1xf32>, vector<256x1xf32>, vector<256x1xf32>, vector<256x1xf32>, vector<256x1xf32>, vector<256x1xf32>, vector<256x1xf32>, vector<256x1xf32>, vector<256x1xf32>, vector<256x1xf32>, vector<256x1xf32>, vector<256x1xf32> -> vector<256x12xf32>
    %convert_element_type3A_246 = arith.fptosi %concatenate3A : vector<256x12xf32> to vector<256x12xi32>
    %swap3A = arith.constant 0 : index
    %swap3A_247 = arith.constant 0 : index
    %swap3A_248 = vector.load %arg4[%swap3A, %swap3A_247] : memref<256x12xi32, #tpu.memory_space<vmem>>, vector<256x12xi32>
    tpu.vector_store %arg4[%swap3A, %swap3A_247], %convert_element_type3A_246 {strides = array<i32>} : memref<256x12xi32, #tpu.memory_space<vmem>>, vector<256x12xi32>,
    %concatenate3A_249 = tpu.concatenate %broadcast_in_dim3A, %broadcast_in_dim3A_44, %broadcast_in_dim3A_63, %broadcast_in_dim3A_82, %broadcast_in_dim3A_101, %broadcast_in_dim3A_120, %broadcast_in_dim3A_139, %broadcast_in_dim3A_158, %broadcast_in_dim3A_177, %broadcast_in_dim3A_196, %broadcast_in_dim3A_215, %broadcast_in_dim3A_234 in 1 : vector<256x1xf32>, vector<256x1xf32>, vector<256x1xf32>, vector<256x1xf32>, vector<256x1xf32>, vector<256x1xf32>, vector<256x1xf32>, vector<256x1xf32>, vector<256x1xf32>, vector<256x1xf32>, vector<256x1xf32>, vector<256x1xf32> -> vector<256x12xf32>
    %swap3A_250 = arith.constant 0 : index
    %swap3A_251 = arith.constant 0 : index
    %swap3A_252 = vector.load %arg5[%swap3A_250, %swap3A_251] : memref<256x12xf32, #tpu.memory_space<vmem>>, vector<256x12xf32>
    tpu.vector_store %arg5[%swap3A_250, %swap3A_251], %concatenate3A_249 {strides = array<i32>} : memref<256x12xf32, #tpu.memory_space<vmem>>, vector<256x12xf32>,
    %concatenate3A_253 = tpu.concatenate %convert_element_type3A_36, %convert_element_type3A_55, %convert_element_type3A_74, %convert_element_type3A_93, %convert_element_type3A_112, %convert_element_type3A_131, %convert_element_type3A_150, %convert_element_type3A_169, %convert_element_type3A_188, %convert_element_type3A_207, %convert_element_type3A_226, %convert_element_type3A_245 in 1 : vector<256x1xf32>, vector<256x1xf32>, vector<256x1xf32>, vector<256x1xf32>, vector<256x1xf32>, vector<256x1xf32>, vector<256x1xf32>, vector<256x1xf32>, vector<256x1xf32>, vector<256x1xf32>, vector<256x1xf32>, vector<256x1xf32> -> vector<256x12xf32>
    %swap3A_254 = arith.constant 0 : index
    %swap3A_255 = arith.constant 0 : index
    %swap3A_256 = vector.load %arg6[%swap3A_254, %swap3A_255] : memref<256x12xf32, #tpu.memory_space<vmem>>, vector<256x12xf32>
    tpu.vector_store %arg6[%swap3A_254, %swap3A_255], %concatenate3A_253 {strides = array<i32>} : memref<256x12xf32, #tpu.memory_space<vmem>>, vector<256x12xf32>,
    %get3A_257 = arith.constant 0 : index
    %get3A_258 = arith.constant 0 : index
    %get3A_259 = vector.load %arg3[%get3A_257, %get3A_258] : memref<4x64xf32, #tpu.memory_space<vmem>>, vector<4x64xf32>
    %dot_general3A = arith.constant dense<0.000000e+00> : vector<256x64xf32>
    %dot_general3A_260 = tpu.matmul %get3A_1, %get3A_259, %dot_general3A {dimension_numbers = #tpu.dot_dimension_numbers<[1], [0], [0], [1], [0, 0, 1, 1], [], []>, precision = #tpu.contract_precision<fp32>, transpose_lhs_hint = false} : vector<256x4xf32>, vector<4x64xf32>, vector<256x64xf32> -> vector<256x64xf32>
    %swap3A_261 = arith.constant 0 : index
    %swap3A_262 = arith.constant 0 : index
    %swap3A_263 = vector.load %arg7[%swap3A_261, %swap3A_262] : memref<256x64xf32, #tpu.memory_space<vmem>>, vector<256x64xf32>
    tpu.vector_store %arg7[%swap3A_261, %swap3A_262], %dot_general3A_260 {strides = array<i32>} : memref<256x64xf32, #tpu.memory_space<vmem>>, vector<256x64xf32>,
    return
  }
  func.func @transform_0(%arg0: i32) -> (i32, i32) {
    %c0_i32 = arith.constant 0 : i32
    %c0_i32_0 = arith.constant 0 : i32
    return %arg0, %c0_i32 : i32, i32
  }
  func.func @transform_1(%arg0: i32) -> (i32, i32) {
    %c0_i32 = arith.constant 0 : i32
    %c0_i32_0 = arith.constant 0 : i32
    %c0_i32_1 = arith.constant 0 : i32
    return %c0_i32, %c0_i32_0 : i32, i32
  }
  func.func @transform_2(%arg0: i32) -> (i32, i32) {
    %c0_i32 = arith.constant 0 : i32
    %c0_i32_0 = arith.constant 0 : i32
    %c0_i32_1 = arith.constant 0 : i32
    return %c0_i32, %c0_i32_0 : i32, i32
  }
  func.func @transform_3(%arg0: i32) -> (i32, i32) {
    %c0_i32 = arith.constant 0 : i32
    %c0_i32_0 = arith.constant 0 : i32
    return %arg0, %c0_i32 : i32, i32
  }
  func.func @transform_4(%arg0: i32) -> (i32, i32) {
    %c0_i32 = arith.constant 0 : i32
    %c0_i32_0 = arith.constant 0 : i32
    return %arg0, %c0_i32 : i32, i32
  }
  func.func @transform_5(%arg0: i32) -> (i32, i32) {
    %c0_i32 = arith.constant 0 : i32
    %c0_i32_0 = arith.constant 0 : i32
    return %arg0, %c0_i32 : i32, i32
  }
  func.func @transform_6(%arg0: i32) -> (i32, i32) {
    %c0_i32 = arith.constant 0 : i32
    %c0_i32_0 = arith.constant 0 : i32
    return %arg0, %c0_i32 : i32, i32
  }
}

module attributes {stable_mosaic.version = 14 : i64} {
  func.func @_mlp_body(%arg0: i32, %arg1: memref<3x2048x64xf32, #tpu.memory_space<vmem>>, %arg2: memref<2048x64xf32, #tpu.memory_space<vmem>>, %arg3: memref<3x2048x1xf32, #tpu.memory_space<vmem>>, %arg4: memref<3x2048x1xf32, #tpu.memory_space<vmem>>, %arg5: memref<1x64xf32, #tpu.memory_space<vmem>>, %arg6: memref<1x64xf32, #tpu.memory_space<vmem>>, %arg7: memref<1x64xf32, #tpu.memory_space<vmem>>, %arg8: memref<64x128xf32, #tpu.memory_space<vmem>>, %arg9: memref<1x128xf32, #tpu.memory_space<vmem>>, %arg10: memref<128x64xf32, #tpu.memory_space<vmem>>, %arg11: memref<1x64xf32, #tpu.memory_space<vmem>>, %arg12: memref<1x64xf32, #tpu.memory_space<vmem>>, %arg13: memref<1x1xf32, #tpu.memory_space<vmem>>, %arg14: memref<3x2048x1xf32, #tpu.memory_space<vmem>>) attributes {dimension_semantics = [#tpu.dimension_semantics<arbitrary>], iteration_bounds = array<i64: 4>, scalar_prefetch = 0 : i64, scratch_operands = 0 : i64, tpu.core_type = #tpu.core_type<tc>, window_params = [{transform_indices = @transform_0, window_bounds = array<i64: 3, 2048, 64>}, {pipeline_mode = #tpu.pipeline_mode<synchronous>, transform_indices = @transform_1, window_bounds = array<i64: 2048, 64>}, {transform_indices = @transform_2, window_bounds = array<i64: 3, 2048, 1>}, {transform_indices = @transform_3, window_bounds = array<i64: 3, 2048, 1>}, {pipeline_mode = #tpu.pipeline_mode<synchronous>, transform_indices = @transform_4, window_bounds = array<i64: 1, 64>}, {pipeline_mode = #tpu.pipeline_mode<synchronous>, transform_indices = @transform_5, window_bounds = array<i64: 1, 64>}, {pipeline_mode = #tpu.pipeline_mode<synchronous>, transform_indices = @transform_6, window_bounds = array<i64: 1, 64>}, {pipeline_mode = #tpu.pipeline_mode<synchronous>, transform_indices = @transform_7, window_bounds = array<i64: 64, 128>}, {pipeline_mode = #tpu.pipeline_mode<synchronous>, transform_indices = @transform_8, window_bounds = array<i64: 1, 128>}, {pipeline_mode = #tpu.pipeline_mode<synchronous>, transform_indices = @transform_9, window_bounds = array<i64: 128, 64>}, {pipeline_mode = #tpu.pipeline_mode<synchronous>, transform_indices = @transform_10, window_bounds = array<i64: 1, 64>}, {pipeline_mode = #tpu.pipeline_mode<synchronous>, transform_indices = @transform_11, window_bounds = array<i64: 1, 64>}, {pipeline_mode = #tpu.pipeline_mode<synchronous>, transform_indices = @transform_12, window_bounds = array<i64: 1, 1>}, {transform_indices = @transform_13, window_bounds = array<i64: 3, 2048, 1>}]} {
    %get3A = arith.constant 0 : index
    %get3A_0 = arith.constant 0 : index
    %get3A_1 = vector.load %arg2[%get3A, %get3A_0] : memref<2048x64xf32, #tpu.memory_space<vmem>>, vector<2048x64xf32>
    %get3A_2 = arith.constant 0 : index
    %get3A_3 = arith.constant 0 : index
    %get3A_4 = arith.constant 0 : index
    %get3A_5 = vector.load %arg1[%get3A_2, %get3A_3, %get3A_4] : memref<3x2048x64xf32, #tpu.memory_space<vmem>>, vector<1x2048x64xf32>
    %get3A_6 = vector.shape_cast %get3A_5 : vector<1x2048x64xf32> to vector<2048x64xf32>
    %get3A_7 = arith.constant 0 : index
    %get3A_8 = arith.constant 0 : index
    %get3A_9 = arith.constant 0 : index
    %get3A_10 = vector.load %arg3[%get3A_7, %get3A_8, %get3A_9] : memref<3x2048x1xf32, #tpu.memory_space<vmem>>, vector<1x2048x1xf32>
    %get3A_11 = vector.shape_cast %get3A_10 : vector<1x2048x1xf32> to vector<2048x1xf32>
    %get3A_12 = arith.constant 0 : index
    %get3A_13 = arith.constant 0 : index
    %get3A_14 = arith.constant 0 : index
    %get3A_15 = vector.load %arg4[%get3A_12, %get3A_13, %get3A_14] : memref<3x2048x1xf32, #tpu.memory_space<vmem>>, vector<1x2048x1xf32>
    %get3A_16 = vector.shape_cast %get3A_15 : vector<1x2048x1xf32> to vector<2048x1xf32>
    %sub3A = arith.subf %get3A_1, %get3A_6 : vector<2048x64xf32>
    %get3A_17 = arith.constant 0 : index
    %get3A_18 = arith.constant 0 : index
    %get3A_19 = vector.load %arg5[%get3A_17, %get3A_18] : memref<1x64xf32, #tpu.memory_space<vmem>>, vector<1x64xf32>
    %mul3A = vector.broadcast %get3A_16 : vector<2048x1xf32> to vector<2048x64xf32>
    %mul3A_20 = vector.broadcast %get3A_19 : vector<1x64xf32> to vector<2048x64xf32>
    %mul3A_21 = arith.mulf %mul3A, %mul3A_20 : vector<2048x64xf32>
    %add3A = arith.addf %sub3A, %mul3A_21 : vector<2048x64xf32>
    %sub3A_22 = arith.constant 1.000000e-01 : f32
    %sub3A_23 = vector.broadcast %sub3A_22 : f32 to vector<2048x1xf32>
    %sub3A_24 = arith.subf %get3A_11, %sub3A_23 : vector<2048x1xf32>
    %get3A_25 = arith.constant 0 : index
    %get3A_26 = arith.constant 0 : index
    %get3A_27 = vector.load %arg6[%get3A_25, %get3A_26] : memref<1x64xf32, #tpu.memory_space<vmem>>, vector<1x64xf32>
    %mul3A_28 = vector.broadcast %sub3A_24 : vector<2048x1xf32> to vector<2048x64xf32>
    %mul3A_29 = vector.broadcast %get3A_27 : vector<1x64xf32> to vector<2048x64xf32>
    %mul3A_30 = arith.mulf %mul3A_28, %mul3A_29 : vector<2048x64xf32>
    %add3A_31 = arith.addf %add3A, %mul3A_30 : vector<2048x64xf32>
    %get3A_32 = arith.constant 0 : index
    %get3A_33 = arith.constant 0 : index
    %get3A_34 = vector.load %arg7[%get3A_32, %get3A_33] : memref<1x64xf32, #tpu.memory_space<vmem>>, vector<1x64xf32>
    %add3A_35 = vector.broadcast %get3A_34 : vector<1x64xf32> to vector<2048x64xf32>
    %add3A_36 = arith.addf %add3A_31, %add3A_35 : vector<2048x64xf32>
    %max3A = arith.constant 0.000000e+00 : f32
    %max3A_37 = vector.broadcast %max3A : f32 to vector<2048x64xf32>
    %max3A_38 = arith.maximumf %add3A_36, %max3A_37 : vector<2048x64xf32>
    %get3A_39 = arith.constant 0 : index
    %get3A_40 = arith.constant 0 : index
    %get3A_41 = vector.load %arg8[%get3A_39, %get3A_40] : memref<64x128xf32, #tpu.memory_space<vmem>>, vector<64x128xf32>
    %convert_element_type3A = arith.truncf %max3A_38 : vector<2048x64xf32> to vector<2048x64xbf16>
    %convert_element_type3A_42 = arith.extf %convert_element_type3A : vector<2048x64xbf16> to vector<2048x64xf32>
    %sub3A_43 = arith.subf %max3A_38, %convert_element_type3A_42 : vector<2048x64xf32>
    %convert_element_type3A_44 = arith.truncf %sub3A_43 : vector<2048x64xf32> to vector<2048x64xbf16>
    %convert_element_type3A_45 = arith.truncf %get3A_41 : vector<64x128xf32> to vector<64x128xbf16>
    %convert_element_type3A_46 = arith.extf %convert_element_type3A_45 : vector<64x128xbf16> to vector<64x128xf32>
    %sub3A_47 = arith.subf %get3A_41, %convert_element_type3A_46 : vector<64x128xf32>
    %convert_element_type3A_48 = arith.truncf %sub3A_47 : vector<64x128xf32> to vector<64x128xbf16>
    %dot_general3A = arith.constant dense<0.000000e+00> : vector<2048x128xf32>
    %dot_general3A_49 = tpu.matmul %convert_element_type3A, %convert_element_type3A_45, %dot_general3A {dimension_numbers = #tpu.dot_dimension_numbers<[1], [0], [0], [1], [0, 0, 1, 1], [], []>, transpose_lhs_hint = false} : vector<2048x64xbf16>, vector<64x128xbf16>, vector<2048x128xf32> -> vector<2048x128xf32>
    %dot_general3A_50 = arith.constant dense<0.000000e+00> : vector<2048x128xf32>
    %dot_general3A_51 = tpu.matmul %convert_element_type3A, %convert_element_type3A_48, %dot_general3A_50 {dimension_numbers = #tpu.dot_dimension_numbers<[1], [0], [0], [1], [0, 0, 1, 1], [], []>, transpose_lhs_hint = false} : vector<2048x64xbf16>, vector<64x128xbf16>, vector<2048x128xf32> -> vector<2048x128xf32>
    %add3A_52 = arith.addf %dot_general3A_49, %dot_general3A_51 : vector<2048x128xf32>
    %dot_general3A_53 = arith.constant dense<0.000000e+00> : vector<2048x128xf32>
    %dot_general3A_54 = tpu.matmul %convert_element_type3A_44, %convert_element_type3A_45, %dot_general3A_53 {dimension_numbers = #tpu.dot_dimension_numbers<[1], [0], [0], [1], [0, 0, 1, 1], [], []>, transpose_lhs_hint = false} : vector<2048x64xbf16>, vector<64x128xbf16>, vector<2048x128xf32> -> vector<2048x128xf32>
    %add3A_55 = arith.addf %add3A_52, %dot_general3A_54 : vector<2048x128xf32>
    %get3A_56 = arith.constant 0 : index
    %get3A_57 = arith.constant 0 : index
    %get3A_58 = vector.load %arg9[%get3A_56, %get3A_57] : memref<1x128xf32, #tpu.memory_space<vmem>>, vector<1x128xf32>
    %add3A_59 = vector.broadcast %get3A_58 : vector<1x128xf32> to vector<2048x128xf32>
    %add3A_60 = arith.addf %add3A_55, %add3A_59 : vector<2048x128xf32>
    %max3A_61 = arith.constant 0.000000e+00 : f32
    %max3A_62 = vector.broadcast %max3A_61 : f32 to vector<2048x128xf32>
    %max3A_63 = arith.maximumf %add3A_60, %max3A_62 : vector<2048x128xf32>
    %get3A_64 = arith.constant 0 : index
    %get3A_65 = arith.constant 0 : index
    %get3A_66 = vector.load %arg10[%get3A_64, %get3A_65] : memref<128x64xf32, #tpu.memory_space<vmem>>, vector<128x64xf32>
    %convert_element_type3A_67 = arith.truncf %max3A_63 : vector<2048x128xf32> to vector<2048x128xbf16>
    %convert_element_type3A_68 = arith.extf %convert_element_type3A_67 : vector<2048x128xbf16> to vector<2048x128xf32>
    %sub3A_69 = arith.subf %max3A_63, %convert_element_type3A_68 : vector<2048x128xf32>
    %convert_element_type3A_70 = arith.truncf %sub3A_69 : vector<2048x128xf32> to vector<2048x128xbf16>
    %convert_element_type3A_71 = arith.truncf %get3A_66 : vector<128x64xf32> to vector<128x64xbf16>
    %convert_element_type3A_72 = arith.extf %convert_element_type3A_71 : vector<128x64xbf16> to vector<128x64xf32>
    %sub3A_73 = arith.subf %get3A_66, %convert_element_type3A_72 : vector<128x64xf32>
    %convert_element_type3A_74 = arith.truncf %sub3A_73 : vector<128x64xf32> to vector<128x64xbf16>
    %dot_general3A_75 = arith.constant dense<0.000000e+00> : vector<2048x64xf32>
    %dot_general3A_76 = tpu.matmul %convert_element_type3A_67, %convert_element_type3A_71, %dot_general3A_75 {dimension_numbers = #tpu.dot_dimension_numbers<[1], [0], [0], [1], [0, 0, 1, 1], [], []>, transpose_lhs_hint = false} : vector<2048x128xbf16>, vector<128x64xbf16>, vector<2048x64xf32> -> vector<2048x64xf32>
    %dot_general3A_77 = arith.constant dense<0.000000e+00> : vector<2048x64xf32>
    %dot_general3A_78 = tpu.matmul %convert_element_type3A_67, %convert_element_type3A_74, %dot_general3A_77 {dimension_numbers = #tpu.dot_dimension_numbers<[1], [0], [0], [1], [0, 0, 1, 1], [], []>, transpose_lhs_hint = false} : vector<2048x128xbf16>, vector<128x64xbf16>, vector<2048x64xf32> -> vector<2048x64xf32>
    %add3A_79 = arith.addf %dot_general3A_76, %dot_general3A_78 : vector<2048x64xf32>
    %dot_general3A_80 = arith.constant dense<0.000000e+00> : vector<2048x64xf32>
    %dot_general3A_81 = tpu.matmul %convert_element_type3A_70, %convert_element_type3A_71, %dot_general3A_80 {dimension_numbers = #tpu.dot_dimension_numbers<[1], [0], [0], [1], [0, 0, 1, 1], [], []>, transpose_lhs_hint = false} : vector<2048x128xbf16>, vector<128x64xbf16>, vector<2048x64xf32> -> vector<2048x64xf32>
    %add3A_82 = arith.addf %add3A_79, %dot_general3A_81 : vector<2048x64xf32>
    %get3A_83 = arith.constant 0 : index
    %get3A_84 = arith.constant 0 : index
    %get3A_85 = vector.load %arg11[%get3A_83, %get3A_84] : memref<1x64xf32, #tpu.memory_space<vmem>>, vector<1x64xf32>
    %add3A_86 = vector.broadcast %get3A_85 : vector<1x64xf32> to vector<2048x64xf32>
    %add3A_87 = arith.addf %add3A_82, %add3A_86 : vector<2048x64xf32>
    %max3A_88 = arith.constant 0.000000e+00 : f32
    %max3A_89 = vector.broadcast %max3A_88 : f32 to vector<2048x64xf32>
    %max3A_90 = arith.maximumf %add3A_87, %max3A_89 : vector<2048x64xf32>
    %get3A_91 = arith.constant 0 : index
    %get3A_92 = arith.constant 0 : index
    %get3A_93 = vector.load %arg12[%get3A_91, %get3A_92] : memref<1x64xf32, #tpu.memory_space<vmem>>, vector<1x64xf32>
    %mul3A_94 = vector.broadcast %get3A_93 : vector<1x64xf32> to vector<2048x64xf32>
    %mul3A_95 = arith.mulf %max3A_90, %mul3A_94 : vector<2048x64xf32>
    %reduce_sum3A = arith.constant dense<0.000000e+00> : vector<2048xf32>
    %reduce_sum3A_96 = vector.multi_reduction <add>, %mul3A_95, %reduce_sum3A [1] : vector<2048x64xf32> to vector<2048xf32>
    %broadcast_in_dim3A = vector.shape_cast %reduce_sum3A_96 : vector<2048xf32> to vector<2048x1xf32>
    %get3A_97 = arith.constant 0 : index
    %get3A_98 = arith.constant 0 : index
    %get3A_99 = vector.load %arg13[%get3A_97, %get3A_98] : memref<1x1xf32, #tpu.memory_space<vmem>>, vector<1x1xf32>
    %add3A_100 = vector.broadcast %get3A_99 : vector<1x1xf32> to vector<2048x1xf32>
    %add3A_101 = arith.addf %broadcast_in_dim3A, %add3A_100 : vector<2048x1xf32>
    %le3A = arith.constant 1.000000e+00 : f32
    %le3A_102 = vector.broadcast %le3A : f32 to vector<2048x1xf32>
    %le3A_103 = arith.cmpf ole, %get3A_11, %le3A_102 : vector<2048x1xf32>
    %convert_element_type3A_104 = arith.extui %le3A_103 : vector<2048x1xi1> to vector<2048x1xi32>
    %convert_element_type3A_105 = arith.sitofp %convert_element_type3A_104 : vector<2048x1xi32> to vector<2048x1xf32>
    %mul3A_106 = arith.mulf %add3A_101, %convert_element_type3A_105 : vector<2048x1xf32>
    %swap3A = arith.constant 0 : index
    %swap3A_107 = arith.constant 0 : index
    %swap3A_108 = arith.constant 0 : index
    %swap3A_109 = vector.load %arg14[%swap3A, %swap3A_107, %swap3A_108] : memref<3x2048x1xf32, #tpu.memory_space<vmem>>, vector<1x2048x1xf32>
    %swap3A_110 = vector.shape_cast %swap3A_109 : vector<1x2048x1xf32> to vector<2048x1xf32>
    %swap3A_111 = vector.shape_cast %mul3A_106 : vector<2048x1xf32> to vector<1x2048x1xf32>
    tpu.vector_store %arg14[%swap3A, %swap3A_107, %swap3A_108], %swap3A_111 {strides = array<i32>} : memref<3x2048x1xf32, #tpu.memory_space<vmem>>, vector<1x2048x1xf32>,
    %get3A_112 = arith.constant 1 : index
    %get3A_113 = arith.constant 0 : index
    %get3A_114 = arith.constant 0 : index
    %get3A_115 = vector.load %arg1[%get3A_112, %get3A_113, %get3A_114] : memref<3x2048x64xf32, #tpu.memory_space<vmem>>, vector<1x2048x64xf32>
    %get3A_116 = vector.shape_cast %get3A_115 : vector<1x2048x64xf32> to vector<2048x64xf32>
    %get3A_117 = arith.constant 1 : index
    %get3A_118 = arith.constant 0 : index
    %get3A_119 = arith.constant 0 : index
    %get3A_120 = vector.load %arg3[%get3A_117, %get3A_118, %get3A_119] : memref<3x2048x1xf32, #tpu.memory_space<vmem>>, vector<1x2048x1xf32>
    %get3A_121 = vector.shape_cast %get3A_120 : vector<1x2048x1xf32> to vector<2048x1xf32>
    %get3A_122 = arith.constant 1 : index
    %get3A_123 = arith.constant 0 : index
    %get3A_124 = arith.constant 0 : index
    %get3A_125 = vector.load %arg4[%get3A_122, %get3A_123, %get3A_124] : memref<3x2048x1xf32, #tpu.memory_space<vmem>>, vector<1x2048x1xf32>
    %get3A_126 = vector.shape_cast %get3A_125 : vector<1x2048x1xf32> to vector<2048x1xf32>
    %sub3A_127 = arith.subf %get3A_1, %get3A_116 : vector<2048x64xf32>
    %get3A_128 = arith.constant 0 : index
    %get3A_129 = arith.constant 0 : index
    %get3A_130 = vector.load %arg5[%get3A_128, %get3A_129] : memref<1x64xf32, #tpu.memory_space<vmem>>, vector<1x64xf32>
    %mul3A_131 = vector.broadcast %get3A_126 : vector<2048x1xf32> to vector<2048x64xf32>
    %mul3A_132 = vector.broadcast %get3A_130 : vector<1x64xf32> to vector<2048x64xf32>
    %mul3A_133 = arith.mulf %mul3A_131, %mul3A_132 : vector<2048x64xf32>
    %add3A_134 = arith.addf %sub3A_127, %mul3A_133 : vector<2048x64xf32>
    %sub3A_135 = arith.constant 1.000000e-01 : f32
    %sub3A_136 = vector.broadcast %sub3A_135 : f32 to vector<2048x1xf32>
    %sub3A_137 = arith.subf %get3A_121, %sub3A_136 : vector<2048x1xf32>
    %get3A_138 = arith.constant 0 : index
    %get3A_139 = arith.constant 0 : index
    %get3A_140 = vector.load %arg6[%get3A_138, %get3A_139] : memref<1x64xf32, #tpu.memory_space<vmem>>, vector<1x64xf32>
    %mul3A_141 = vector.broadcast %sub3A_137 : vector<2048x1xf32> to vector<2048x64xf32>
    %mul3A_142 = vector.broadcast %get3A_140 : vector<1x64xf32> to vector<2048x64xf32>
    %mul3A_143 = arith.mulf %mul3A_141, %mul3A_142 : vector<2048x64xf32>
    %add3A_144 = arith.addf %add3A_134, %mul3A_143 : vector<2048x64xf32>
    %get3A_145 = arith.constant 0 : index
    %get3A_146 = arith.constant 0 : index
    %get3A_147 = vector.load %arg7[%get3A_145, %get3A_146] : memref<1x64xf32, #tpu.memory_space<vmem>>, vector<1x64xf32>
    %add3A_148 = vector.broadcast %get3A_147 : vector<1x64xf32> to vector<2048x64xf32>
    %add3A_149 = arith.addf %add3A_144, %add3A_148 : vector<2048x64xf32>
    %max3A_150 = arith.constant 0.000000e+00 : f32
    %max3A_151 = vector.broadcast %max3A_150 : f32 to vector<2048x64xf32>
    %max3A_152 = arith.maximumf %add3A_149, %max3A_151 : vector<2048x64xf32>
    %get3A_153 = arith.constant 0 : index
    %get3A_154 = arith.constant 0 : index
    %get3A_155 = vector.load %arg8[%get3A_153, %get3A_154] : memref<64x128xf32, #tpu.memory_space<vmem>>, vector<64x128xf32>
    %convert_element_type3A_156 = arith.truncf %max3A_152 : vector<2048x64xf32> to vector<2048x64xbf16>
    %convert_element_type3A_157 = arith.extf %convert_element_type3A_156 : vector<2048x64xbf16> to vector<2048x64xf32>
    %sub3A_158 = arith.subf %max3A_152, %convert_element_type3A_157 : vector<2048x64xf32>
    %convert_element_type3A_159 = arith.truncf %sub3A_158 : vector<2048x64xf32> to vector<2048x64xbf16>
    %convert_element_type3A_160 = arith.truncf %get3A_155 : vector<64x128xf32> to vector<64x128xbf16>
    %convert_element_type3A_161 = arith.extf %convert_element_type3A_160 : vector<64x128xbf16> to vector<64x128xf32>
    %sub3A_162 = arith.subf %get3A_155, %convert_element_type3A_161 : vector<64x128xf32>
    %convert_element_type3A_163 = arith.truncf %sub3A_162 : vector<64x128xf32> to vector<64x128xbf16>
    %dot_general3A_164 = arith.constant dense<0.000000e+00> : vector<2048x128xf32>
    %dot_general3A_165 = tpu.matmul %convert_element_type3A_156, %convert_element_type3A_160, %dot_general3A_164 {dimension_numbers = #tpu.dot_dimension_numbers<[1], [0], [0], [1], [0, 0, 1, 1], [], []>, transpose_lhs_hint = false} : vector<2048x64xbf16>, vector<64x128xbf16>, vector<2048x128xf32> -> vector<2048x128xf32>
    %dot_general3A_166 = arith.constant dense<0.000000e+00> : vector<2048x128xf32>
    %dot_general3A_167 = tpu.matmul %convert_element_type3A_156, %convert_element_type3A_163, %dot_general3A_166 {dimension_numbers = #tpu.dot_dimension_numbers<[1], [0], [0], [1], [0, 0, 1, 1], [], []>, transpose_lhs_hint = false} : vector<2048x64xbf16>, vector<64x128xbf16>, vector<2048x128xf32> -> vector<2048x128xf32>
    %add3A_168 = arith.addf %dot_general3A_165, %dot_general3A_167 : vector<2048x128xf32>
    %dot_general3A_169 = arith.constant dense<0.000000e+00> : vector<2048x128xf32>
    %dot_general3A_170 = tpu.matmul %convert_element_type3A_159, %convert_element_type3A_160, %dot_general3A_169 {dimension_numbers = #tpu.dot_dimension_numbers<[1], [0], [0], [1], [0, 0, 1, 1], [], []>, transpose_lhs_hint = false} : vector<2048x64xbf16>, vector<64x128xbf16>, vector<2048x128xf32> -> vector<2048x128xf32>
    %add3A_171 = arith.addf %add3A_168, %dot_general3A_170 : vector<2048x128xf32>
    %get3A_172 = arith.constant 0 : index
    %get3A_173 = arith.constant 0 : index
    %get3A_174 = vector.load %arg9[%get3A_172, %get3A_173] : memref<1x128xf32, #tpu.memory_space<vmem>>, vector<1x128xf32>
    %add3A_175 = vector.broadcast %get3A_174 : vector<1x128xf32> to vector<2048x128xf32>
    %add3A_176 = arith.addf %add3A_171, %add3A_175 : vector<2048x128xf32>
    %max3A_177 = arith.constant 0.000000e+00 : f32
    %max3A_178 = vector.broadcast %max3A_177 : f32 to vector<2048x128xf32>
    %max3A_179 = arith.maximumf %add3A_176, %max3A_178 : vector<2048x128xf32>
    %get3A_180 = arith.constant 0 : index
    %get3A_181 = arith.constant 0 : index
    %get3A_182 = vector.load %arg10[%get3A_180, %get3A_181] : memref<128x64xf32, #tpu.memory_space<vmem>>, vector<128x64xf32>
    %convert_element_type3A_183 = arith.truncf %max3A_179 : vector<2048x128xf32> to vector<2048x128xbf16>
    %convert_element_type3A_184 = arith.extf %convert_element_type3A_183 : vector<2048x128xbf16> to vector<2048x128xf32>
    %sub3A_185 = arith.subf %max3A_179, %convert_element_type3A_184 : vector<2048x128xf32>
    %convert_element_type3A_186 = arith.truncf %sub3A_185 : vector<2048x128xf32> to vector<2048x128xbf16>
    %convert_element_type3A_187 = arith.truncf %get3A_182 : vector<128x64xf32> to vector<128x64xbf16>
    %convert_element_type3A_188 = arith.extf %convert_element_type3A_187 : vector<128x64xbf16> to vector<128x64xf32>
    %sub3A_189 = arith.subf %get3A_182, %convert_element_type3A_188 : vector<128x64xf32>
    %convert_element_type3A_190 = arith.truncf %sub3A_189 : vector<128x64xf32> to vector<128x64xbf16>
    %dot_general3A_191 = arith.constant dense<0.000000e+00> : vector<2048x64xf32>
    %dot_general3A_192 = tpu.matmul %convert_element_type3A_183, %convert_element_type3A_187, %dot_general3A_191 {dimension_numbers = #tpu.dot_dimension_numbers<[1], [0], [0], [1], [0, 0, 1, 1], [], []>, transpose_lhs_hint = false} : vector<2048x128xbf16>, vector<128x64xbf16>, vector<2048x64xf32> -> vector<2048x64xf32>
    %dot_general3A_193 = arith.constant dense<0.000000e+00> : vector<2048x64xf32>
    %dot_general3A_194 = tpu.matmul %convert_element_type3A_183, %convert_element_type3A_190, %dot_general3A_193 {dimension_numbers = #tpu.dot_dimension_numbers<[1], [0], [0], [1], [0, 0, 1, 1], [], []>, transpose_lhs_hint = false} : vector<2048x128xbf16>, vector<128x64xbf16>, vector<2048x64xf32> -> vector<2048x64xf32>
    %add3A_195 = arith.addf %dot_general3A_192, %dot_general3A_194 : vector<2048x64xf32>
    %dot_general3A_196 = arith.constant dense<0.000000e+00> : vector<2048x64xf32>
    %dot_general3A_197 = tpu.matmul %convert_element_type3A_186, %convert_element_type3A_187, %dot_general3A_196 {dimension_numbers = #tpu.dot_dimension_numbers<[1], [0], [0], [1], [0, 0, 1, 1], [], []>, transpose_lhs_hint = false} : vector<2048x128xbf16>, vector<128x64xbf16>, vector<2048x64xf32> -> vector<2048x64xf32>
    %add3A_198 = arith.addf %add3A_195, %dot_general3A_197 : vector<2048x64xf32>
    %get3A_199 = arith.constant 0 : index
    %get3A_200 = arith.constant 0 : index
    %get3A_201 = vector.load %arg11[%get3A_199, %get3A_200] : memref<1x64xf32, #tpu.memory_space<vmem>>, vector<1x64xf32>
    %add3A_202 = vector.broadcast %get3A_201 : vector<1x64xf32> to vector<2048x64xf32>
    %add3A_203 = arith.addf %add3A_198, %add3A_202 : vector<2048x64xf32>
    %max3A_204 = arith.constant 0.000000e+00 : f32
    %max3A_205 = vector.broadcast %max3A_204 : f32 to vector<2048x64xf32>
    %max3A_206 = arith.maximumf %add3A_203, %max3A_205 : vector<2048x64xf32>
    %get3A_207 = arith.constant 0 : index
    %get3A_208 = arith.constant 0 : index
    %get3A_209 = vector.load %arg12[%get3A_207, %get3A_208] : memref<1x64xf32, #tpu.memory_space<vmem>>, vector<1x64xf32>
    %mul3A_210 = vector.broadcast %get3A_209 : vector<1x64xf32> to vector<2048x64xf32>
    %mul3A_211 = arith.mulf %max3A_206, %mul3A_210 : vector<2048x64xf32>
    %reduce_sum3A_212 = arith.constant dense<0.000000e+00> : vector<2048xf32>
    %reduce_sum3A_213 = vector.multi_reduction <add>, %mul3A_211, %reduce_sum3A_212 [1] : vector<2048x64xf32> to vector<2048xf32>
    %broadcast_in_dim3A_214 = vector.shape_cast %reduce_sum3A_213 : vector<2048xf32> to vector<2048x1xf32>
    %get3A_215 = arith.constant 0 : index
    %get3A_216 = arith.constant 0 : index
    %get3A_217 = vector.load %arg13[%get3A_215, %get3A_216] : memref<1x1xf32, #tpu.memory_space<vmem>>, vector<1x1xf32>
    %add3A_218 = vector.broadcast %get3A_217 : vector<1x1xf32> to vector<2048x1xf32>
    %add3A_219 = arith.addf %broadcast_in_dim3A_214, %add3A_218 : vector<2048x1xf32>
    %le3A_220 = arith.constant 1.000000e+00 : f32
    %le3A_221 = vector.broadcast %le3A_220 : f32 to vector<2048x1xf32>
    %le3A_222 = arith.cmpf ole, %get3A_121, %le3A_221 : vector<2048x1xf32>
    %convert_element_type3A_223 = arith.extui %le3A_222 : vector<2048x1xi1> to vector<2048x1xi32>
    %convert_element_type3A_224 = arith.sitofp %convert_element_type3A_223 : vector<2048x1xi32> to vector<2048x1xf32>
    %mul3A_225 = arith.mulf %add3A_219, %convert_element_type3A_224 : vector<2048x1xf32>
    %swap3A_226 = arith.constant 1 : index
    %swap3A_227 = arith.constant 0 : index
    %swap3A_228 = arith.constant 0 : index
    %swap3A_229 = vector.load %arg14[%swap3A_226, %swap3A_227, %swap3A_228] : memref<3x2048x1xf32, #tpu.memory_space<vmem>>, vector<1x2048x1xf32>
    %swap3A_230 = vector.shape_cast %swap3A_229 : vector<1x2048x1xf32> to vector<2048x1xf32>
    %swap3A_231 = vector.shape_cast %mul3A_225 : vector<2048x1xf32> to vector<1x2048x1xf32>
    tpu.vector_store %arg14[%swap3A_226, %swap3A_227, %swap3A_228], %swap3A_231 {strides = array<i32>} : memref<3x2048x1xf32, #tpu.memory_space<vmem>>, vector<1x2048x1xf32>,
    %get3A_232 = arith.constant 2 : index
    %get3A_233 = arith.constant 0 : index
    %get3A_234 = arith.constant 0 : index
    %get3A_235 = vector.load %arg1[%get3A_232, %get3A_233, %get3A_234] : memref<3x2048x64xf32, #tpu.memory_space<vmem>>, vector<1x2048x64xf32>
    %get3A_236 = vector.shape_cast %get3A_235 : vector<1x2048x64xf32> to vector<2048x64xf32>
    %get3A_237 = arith.constant 2 : index
    %get3A_238 = arith.constant 0 : index
    %get3A_239 = arith.constant 0 : index
    %get3A_240 = vector.load %arg3[%get3A_237, %get3A_238, %get3A_239] : memref<3x2048x1xf32, #tpu.memory_space<vmem>>, vector<1x2048x1xf32>
    %get3A_241 = vector.shape_cast %get3A_240 : vector<1x2048x1xf32> to vector<2048x1xf32>
    %get3A_242 = arith.constant 2 : index
    %get3A_243 = arith.constant 0 : index
    %get3A_244 = arith.constant 0 : index
    %get3A_245 = vector.load %arg4[%get3A_242, %get3A_243, %get3A_244] : memref<3x2048x1xf32, #tpu.memory_space<vmem>>, vector<1x2048x1xf32>
    %get3A_246 = vector.shape_cast %get3A_245 : vector<1x2048x1xf32> to vector<2048x1xf32>
    %sub3A_247 = arith.subf %get3A_1, %get3A_236 : vector<2048x64xf32>
    %get3A_248 = arith.constant 0 : index
    %get3A_249 = arith.constant 0 : index
    %get3A_250 = vector.load %arg5[%get3A_248, %get3A_249] : memref<1x64xf32, #tpu.memory_space<vmem>>, vector<1x64xf32>
    %mul3A_251 = vector.broadcast %get3A_246 : vector<2048x1xf32> to vector<2048x64xf32>
    %mul3A_252 = vector.broadcast %get3A_250 : vector<1x64xf32> to vector<2048x64xf32>
    %mul3A_253 = arith.mulf %mul3A_251, %mul3A_252 : vector<2048x64xf32>
    %add3A_254 = arith.addf %sub3A_247, %mul3A_253 : vector<2048x64xf32>
    %sub3A_255 = arith.constant 1.000000e-01 : f32
    %sub3A_256 = vector.broadcast %sub3A_255 : f32 to vector<2048x1xf32>
    %sub3A_257 = arith.subf %get3A_241, %sub3A_256 : vector<2048x1xf32>
    %get3A_258 = arith.constant 0 : index
    %get3A_259 = arith.constant 0 : index
    %get3A_260 = vector.load %arg6[%get3A_258, %get3A_259] : memref<1x64xf32, #tpu.memory_space<vmem>>, vector<1x64xf32>
    %mul3A_261 = vector.broadcast %sub3A_257 : vector<2048x1xf32> to vector<2048x64xf32>
    %mul3A_262 = vector.broadcast %get3A_260 : vector<1x64xf32> to vector<2048x64xf32>
    %mul3A_263 = arith.mulf %mul3A_261, %mul3A_262 : vector<2048x64xf32>
    %add3A_264 = arith.addf %add3A_254, %mul3A_263 : vector<2048x64xf32>
    %get3A_265 = arith.constant 0 : index
    %get3A_266 = arith.constant 0 : index
    %get3A_267 = vector.load %arg7[%get3A_265, %get3A_266] : memref<1x64xf32, #tpu.memory_space<vmem>>, vector<1x64xf32>
    %add3A_268 = vector.broadcast %get3A_267 : vector<1x64xf32> to vector<2048x64xf32>
    %add3A_269 = arith.addf %add3A_264, %add3A_268 : vector<2048x64xf32>
    %max3A_270 = arith.constant 0.000000e+00 : f32
    %max3A_271 = vector.broadcast %max3A_270 : f32 to vector<2048x64xf32>
    %max3A_272 = arith.maximumf %add3A_269, %max3A_271 : vector<2048x64xf32>
    %get3A_273 = arith.constant 0 : index
    %get3A_274 = arith.constant 0 : index
    %get3A_275 = vector.load %arg8[%get3A_273, %get3A_274] : memref<64x128xf32, #tpu.memory_space<vmem>>, vector<64x128xf32>
    %convert_element_type3A_276 = arith.truncf %max3A_272 : vector<2048x64xf32> to vector<2048x64xbf16>
    %convert_element_type3A_277 = arith.extf %convert_element_type3A_276 : vector<2048x64xbf16> to vector<2048x64xf32>
    %sub3A_278 = arith.subf %max3A_272, %convert_element_type3A_277 : vector<2048x64xf32>
    %convert_element_type3A_279 = arith.truncf %sub3A_278 : vector<2048x64xf32> to vector<2048x64xbf16>
    %convert_element_type3A_280 = arith.truncf %get3A_275 : vector<64x128xf32> to vector<64x128xbf16>
    %convert_element_type3A_281 = arith.extf %convert_element_type3A_280 : vector<64x128xbf16> to vector<64x128xf32>
    %sub3A_282 = arith.subf %get3A_275, %convert_element_type3A_281 : vector<64x128xf32>
    %convert_element_type3A_283 = arith.truncf %sub3A_282 : vector<64x128xf32> to vector<64x128xbf16>
    %dot_general3A_284 = arith.constant dense<0.000000e+00> : vector<2048x128xf32>
    %dot_general3A_285 = tpu.matmul %convert_element_type3A_276, %convert_element_type3A_280, %dot_general3A_284 {dimension_numbers = #tpu.dot_dimension_numbers<[1], [0], [0], [1], [0, 0, 1, 1], [], []>, transpose_lhs_hint = false} : vector<2048x64xbf16>, vector<64x128xbf16>, vector<2048x128xf32> -> vector<2048x128xf32>
    %dot_general3A_286 = arith.constant dense<0.000000e+00> : vector<2048x128xf32>
    %dot_general3A_287 = tpu.matmul %convert_element_type3A_276, %convert_element_type3A_283, %dot_general3A_286 {dimension_numbers = #tpu.dot_dimension_numbers<[1], [0], [0], [1], [0, 0, 1, 1], [], []>, transpose_lhs_hint = false} : vector<2048x64xbf16>, vector<64x128xbf16>, vector<2048x128xf32> -> vector<2048x128xf32>
    %add3A_288 = arith.addf %dot_general3A_285, %dot_general3A_287 : vector<2048x128xf32>
    %dot_general3A_289 = arith.constant dense<0.000000e+00> : vector<2048x128xf32>
    %dot_general3A_290 = tpu.matmul %convert_element_type3A_279, %convert_element_type3A_280, %dot_general3A_289 {dimension_numbers = #tpu.dot_dimension_numbers<[1], [0], [0], [1], [0, 0, 1, 1], [], []>, transpose_lhs_hint = false} : vector<2048x64xbf16>, vector<64x128xbf16>, vector<2048x128xf32> -> vector<2048x128xf32>
    %add3A_291 = arith.addf %add3A_288, %dot_general3A_290 : vector<2048x128xf32>
    %get3A_292 = arith.constant 0 : index
    %get3A_293 = arith.constant 0 : index
    %get3A_294 = vector.load %arg9[%get3A_292, %get3A_293] : memref<1x128xf32, #tpu.memory_space<vmem>>, vector<1x128xf32>
    %add3A_295 = vector.broadcast %get3A_294 : vector<1x128xf32> to vector<2048x128xf32>
    %add3A_296 = arith.addf %add3A_291, %add3A_295 : vector<2048x128xf32>
    %max3A_297 = arith.constant 0.000000e+00 : f32
    %max3A_298 = vector.broadcast %max3A_297 : f32 to vector<2048x128xf32>
    %max3A_299 = arith.maximumf %add3A_296, %max3A_298 : vector<2048x128xf32>
    %get3A_300 = arith.constant 0 : index
    %get3A_301 = arith.constant 0 : index
    %get3A_302 = vector.load %arg10[%get3A_300, %get3A_301] : memref<128x64xf32, #tpu.memory_space<vmem>>, vector<128x64xf32>
    %convert_element_type3A_303 = arith.truncf %max3A_299 : vector<2048x128xf32> to vector<2048x128xbf16>
    %convert_element_type3A_304 = arith.extf %convert_element_type3A_303 : vector<2048x128xbf16> to vector<2048x128xf32>
    %sub3A_305 = arith.subf %max3A_299, %convert_element_type3A_304 : vector<2048x128xf32>
    %convert_element_type3A_306 = arith.truncf %sub3A_305 : vector<2048x128xf32> to vector<2048x128xbf16>
    %convert_element_type3A_307 = arith.truncf %get3A_302 : vector<128x64xf32> to vector<128x64xbf16>
    %convert_element_type3A_308 = arith.extf %convert_element_type3A_307 : vector<128x64xbf16> to vector<128x64xf32>
    %sub3A_309 = arith.subf %get3A_302, %convert_element_type3A_308 : vector<128x64xf32>
    %convert_element_type3A_310 = arith.truncf %sub3A_309 : vector<128x64xf32> to vector<128x64xbf16>
    %dot_general3A_311 = arith.constant dense<0.000000e+00> : vector<2048x64xf32>
    %dot_general3A_312 = tpu.matmul %convert_element_type3A_303, %convert_element_type3A_307, %dot_general3A_311 {dimension_numbers = #tpu.dot_dimension_numbers<[1], [0], [0], [1], [0, 0, 1, 1], [], []>, transpose_lhs_hint = false} : vector<2048x128xbf16>, vector<128x64xbf16>, vector<2048x64xf32> -> vector<2048x64xf32>
    %dot_general3A_313 = arith.constant dense<0.000000e+00> : vector<2048x64xf32>
    %dot_general3A_314 = tpu.matmul %convert_element_type3A_303, %convert_element_type3A_310, %dot_general3A_313 {dimension_numbers = #tpu.dot_dimension_numbers<[1], [0], [0], [1], [0, 0, 1, 1], [], []>, transpose_lhs_hint = false} : vector<2048x128xbf16>, vector<128x64xbf16>, vector<2048x64xf32> -> vector<2048x64xf32>
    %add3A_315 = arith.addf %dot_general3A_312, %dot_general3A_314 : vector<2048x64xf32>
    %dot_general3A_316 = arith.constant dense<0.000000e+00> : vector<2048x64xf32>
    %dot_general3A_317 = tpu.matmul %convert_element_type3A_306, %convert_element_type3A_307, %dot_general3A_316 {dimension_numbers = #tpu.dot_dimension_numbers<[1], [0], [0], [1], [0, 0, 1, 1], [], []>, transpose_lhs_hint = false} : vector<2048x128xbf16>, vector<128x64xbf16>, vector<2048x64xf32> -> vector<2048x64xf32>
    %add3A_318 = arith.addf %add3A_315, %dot_general3A_317 : vector<2048x64xf32>
    %get3A_319 = arith.constant 0 : index
    %get3A_320 = arith.constant 0 : index
    %get3A_321 = vector.load %arg11[%get3A_319, %get3A_320] : memref<1x64xf32, #tpu.memory_space<vmem>>, vector<1x64xf32>
    %add3A_322 = vector.broadcast %get3A_321 : vector<1x64xf32> to vector<2048x64xf32>
    %add3A_323 = arith.addf %add3A_318, %add3A_322 : vector<2048x64xf32>
    %max3A_324 = arith.constant 0.000000e+00 : f32
    %max3A_325 = vector.broadcast %max3A_324 : f32 to vector<2048x64xf32>
    %max3A_326 = arith.maximumf %add3A_323, %max3A_325 : vector<2048x64xf32>
    %get3A_327 = arith.constant 0 : index
    %get3A_328 = arith.constant 0 : index
    %get3A_329 = vector.load %arg12[%get3A_327, %get3A_328] : memref<1x64xf32, #tpu.memory_space<vmem>>, vector<1x64xf32>
    %mul3A_330 = vector.broadcast %get3A_329 : vector<1x64xf32> to vector<2048x64xf32>
    %mul3A_331 = arith.mulf %max3A_326, %mul3A_330 : vector<2048x64xf32>
    %reduce_sum3A_332 = arith.constant dense<0.000000e+00> : vector<2048xf32>
    %reduce_sum3A_333 = vector.multi_reduction <add>, %mul3A_331, %reduce_sum3A_332 [1] : vector<2048x64xf32> to vector<2048xf32>
    %broadcast_in_dim3A_334 = vector.shape_cast %reduce_sum3A_333 : vector<2048xf32> to vector<2048x1xf32>
    %get3A_335 = arith.constant 0 : index
    %get3A_336 = arith.constant 0 : index
    %get3A_337 = vector.load %arg13[%get3A_335, %get3A_336] : memref<1x1xf32, #tpu.memory_space<vmem>>, vector<1x1xf32>
    %add3A_338 = vector.broadcast %get3A_337 : vector<1x1xf32> to vector<2048x1xf32>
    %add3A_339 = arith.addf %broadcast_in_dim3A_334, %add3A_338 : vector<2048x1xf32>
    %le3A_340 = arith.constant 1.000000e+00 : f32
    %le3A_341 = vector.broadcast %le3A_340 : f32 to vector<2048x1xf32>
    %le3A_342 = arith.cmpf ole, %get3A_241, %le3A_341 : vector<2048x1xf32>
    %convert_element_type3A_343 = arith.extui %le3A_342 : vector<2048x1xi1> to vector<2048x1xi32>
    %convert_element_type3A_344 = arith.sitofp %convert_element_type3A_343 : vector<2048x1xi32> to vector<2048x1xf32>
    %mul3A_345 = arith.mulf %add3A_339, %convert_element_type3A_344 : vector<2048x1xf32>
    %swap3A_346 = arith.constant 2 : index
    %swap3A_347 = arith.constant 0 : index
    %swap3A_348 = arith.constant 0 : index
    %swap3A_349 = vector.load %arg14[%swap3A_346, %swap3A_347, %swap3A_348] : memref<3x2048x1xf32, #tpu.memory_space<vmem>>, vector<1x2048x1xf32>
    %swap3A_350 = vector.shape_cast %swap3A_349 : vector<1x2048x1xf32> to vector<2048x1xf32>
    %swap3A_351 = vector.shape_cast %mul3A_345 : vector<2048x1xf32> to vector<1x2048x1xf32>
    tpu.vector_store %arg14[%swap3A_346, %swap3A_347, %swap3A_348], %swap3A_351 {strides = array<i32>} : memref<3x2048x1xf32, #tpu.memory_space<vmem>>, vector<1x2048x1xf32>,
    return
  }
  func.func @transform_0(%arg0: i32) -> (i32, i32, i32) {
    %c0_i32 = arith.constant 0 : i32
    %c0_i32_0 = arith.constant 0 : i32
    %c0_i32_1 = arith.constant 0 : i32
    return %arg0, %c0_i32, %c0_i32_0 : i32, i32, i32
  }
  func.func @transform_1(%arg0: i32) -> (i32, i32) {
    %c0_i32 = arith.constant 0 : i32
    %c0_i32_0 = arith.constant 0 : i32
    %c0_i32_1 = arith.constant 0 : i32
    return %c0_i32, %c0_i32_0 : i32, i32
  }
  func.func @transform_2(%arg0: i32) -> (i32, i32, i32) {
    %c0_i32 = arith.constant 0 : i32
    %c0_i32_0 = arith.constant 0 : i32
    %c0_i32_1 = arith.constant 0 : i32
    return %arg0, %c0_i32, %c0_i32_0 : i32, i32, i32
  }
  func.func @transform_3(%arg0: i32) -> (i32, i32, i32) {
    %c0_i32 = arith.constant 0 : i32
    %c0_i32_0 = arith.constant 0 : i32
    %c0_i32_1 = arith.constant 0 : i32
    return %arg0, %c0_i32, %c0_i32_0 : i32, i32, i32
  }
  func.func @transform_4(%arg0: i32) -> (i32, i32) {
    %c0_i32 = arith.constant 0 : i32
    %c0_i32_0 = arith.constant 0 : i32
    %c0_i32_1 = arith.constant 0 : i32
    return %c0_i32, %c0_i32_0 : i32, i32
  }
  func.func @transform_5(%arg0: i32) -> (i32, i32) {
    %c0_i32 = arith.constant 0 : i32
    %c0_i32_0 = arith.constant 0 : i32
    %c0_i32_1 = arith.constant 0 : i32
    return %c0_i32, %c0_i32_0 : i32, i32
  }
  func.func @transform_6(%arg0: i32) -> (i32, i32) {
    %c0_i32 = arith.constant 0 : i32
    %c0_i32_0 = arith.constant 0 : i32
    %c0_i32_1 = arith.constant 0 : i32
    return %c0_i32, %c0_i32_0 : i32, i32
  }
  func.func @transform_7(%arg0: i32) -> (i32, i32) {
    %c0_i32 = arith.constant 0 : i32
    %c0_i32_0 = arith.constant 0 : i32
    %c0_i32_1 = arith.constant 0 : i32
    return %c0_i32, %c0_i32_0 : i32, i32
  }
  func.func @transform_8(%arg0: i32) -> (i32, i32) {
    %c0_i32 = arith.constant 0 : i32
    %c0_i32_0 = arith.constant 0 : i32
    %c0_i32_1 = arith.constant 0 : i32
    return %c0_i32, %c0_i32_0 : i32, i32
  }
  func.func @transform_9(%arg0: i32) -> (i32, i32) {
    %c0_i32 = arith.constant 0 : i32
    %c0_i32_0 = arith.constant 0 : i32
    %c0_i32_1 = arith.constant 0 : i32
    return %c0_i32, %c0_i32_0 : i32, i32
  }
  func.func @transform_10(%arg0: i32) -> (i32, i32) {
    %c0_i32 = arith.constant 0 : i32
    %c0_i32_0 = arith.constant 0 : i32
    %c0_i32_1 = arith.constant 0 : i32
    return %c0_i32, %c0_i32_0 : i32, i32
  }
  func.func @transform_11(%arg0: i32) -> (i32, i32) {
    %c0_i32 = arith.constant 0 : i32
    %c0_i32_0 = arith.constant 0 : i32
    %c0_i32_1 = arith.constant 0 : i32
    return %c0_i32, %c0_i32_0 : i32, i32
  }
  func.func @transform_12(%arg0: i32) -> (i32, i32) {
    %c0_i32 = arith.constant 0 : i32
    %c0_i32_0 = arith.constant 0 : i32
    %c0_i32_1 = arith.constant 0 : i32
    return %c0_i32, %c0_i32_0 : i32, i32
  }
  func.func @transform_13(%arg0: i32) -> (i32, i32, i32) {
    %c0_i32 = arith.constant 0 : i32
    %c0_i32_0 = arith.constant 0 : i32
    %c0_i32_1 = arith.constant 0 : i32
    return %arg0, %c0_i32, %c0_i32_0 : i32, i32, i32
  }
}

</mosaic_0001>

<sc_bundles>
// kernel: kernel.5.cloned.1.call-start
scs
__scs_entry_jumppad:
0x0: {  	(pc) =	sbr.rel $0x88, $3  }
0x1: {  	(tag) =	ssettag $0x0;
	lr =	simm.s32 $0x1  }
0x2: {  	[smem:$0x3F98] =	sst lr;
	_ =	strace $0xD0000000  }
0x3: {  	_ = 	snop  }
0x4: {  	_ = 	snop  }
0x5: {  	_ = 	snop  }
0x6: {  	_ = 	snop  }
0x7: {  	_ = 	snop  }
__scs_overlays_trampoline_lowered:
0x8: {  	[smem:$0x3FA7] =	sst s0  }
0x9: {  	[smem:$0x3FA8] =	sst s1  }
0xa: {  	[smem:$0x3FA9] =	sst s2  }
0xb: {  	[smem:$0x3FAA] =	sst s3  }
0xc: {  	[smem:$0x3FAB] =	sst s4  }
0xd: {  	[smem:$0x3FAC] =	sst s5  }
0xe: {  	[smem:$0x3FAD] =	sst s6  }
0xf: {  	[smem:$0x3FAE] =	sst s7  }
0x10: {  	[smem:$0x3FAF] =	sst s8  }
0x11: {  	[smem:$0x3FB0] =	sst s9;
	s0 =	simm.s32 @!p0 $0x0  }
0x12: {  	s1 =	sld [smem:$0x3F96];
	s0 =	simm.s32 @p0 $0x1  }
0x13: {  	[smem:$0x3FB1] =	sst s0;
	s0 =	simm.s32 @!p1 $0x0  }
0x14: {  	s2 =	sld [smem:$0x3F95];
	s0 =	simm.s32 @p1 $0x1  }
0x15: {  	[smem:$0x3FB2] =	sst s0;
	s0 =	simm.s32 @!p2 $0x0  }
0x16: {  	s3 =	sld [smem:$0x3FDB];
	s0 =	simm.s32 @p2 $0x1  }
0x17: {  	s4 =	simm.s32 $0x1BF5;
	[smem:$0x3FB4] =	sst s0  }
0x18: {  	s0 =	sld [smem:$0x3F97];
	_ =	swait.ge [sflag:s4], $0x0  }
0x19: {  	s7 =	sld [smem:$0x3F98]  }
0x1a: {  	s8 =	sadd.s32 $0xFFFFE003, lr  }
0x1b: {  	s9 =	sadd.s32 $0xFFFFFEF7, lr;
	s5 =	simm.s32 $0xFFFFFFFF;
	p2 =	slt.u32 s8, $0xFFFFF086  }
0x1c: {  	p1 =	slt.u32 s9, $0xF7A;
	s5 =	simm.s32 @!p2 $0x0  }
0x1d: {  	s5 =	simm.s32 @p1 $0x1;
	p0 =	seq.s32 s7, s2  }
0x1e: {  	s7 =	smul.u32 @!p0 $0xF7A, s2;
	p2 =	seq.s32 @!p0 s5, $0x0  }
0x1f: {  	s9 =	smul.u32 $0xF7A, s1;
	s8 =	simm.s32 @!p0 $0x1BF5;
	p2 =	por !p2, p0  }
0x20: {  	[sflag:s8] =	ssyncset.s32 @!p0 $0xFFFFF086;
	s6 =	sadd.s32 @!p0 s3, s7;
	s7 =	simm.s32 @!p0 $0x108  }
0x21: {  	s3 =	sadd.s32 s3, s9;
	s6 =	sadd.s32 @!p0 $0x88, s6;
	s7 =	simm.s32 @p2 $0x1082  }
0x22: {  	[simem:s7], [sflag:s8] =	dma.local @!p0 [hbm:s6], $0xF7A  }
0x23: {  	s9 =	sor.u32 $0xD0000000, s2;
	s6 =	simm.s32 $0x108;
	_ =	swait.ge @!p0 [sflag:s8], $0x0  }
0x24: {  	s3 =	sadd.s32 $0x88, s3;
	s6 =	simm.s32 @!p1 $0x1082;
	[sflag:s4] =	ssyncset.s32 $0xFFFFF086  }
0x25: {  	[simem:s6], [sflag:s4] =	dma.local [hbm:s3], $0xF7A  }
0x26: {  	[smem:$0x3F98] =	sst s1;
	(tag) =	ssettag s2;
	_ =	strace s9  }
0x27: {  	s1 =	sld [smem:$0x3FA8]  }
0x28: {  	s2 =	sld [smem:$0x3FA9]  }
0x29: {  	s4 =	sld [smem:$0x3FAB]  }
0x2a: {  	p0 =	seq.s32 s5, $0x0;
	s5 =	sld [smem:$0x3FAC]  }
0x2b: {  	s6 =	sld [smem:$0x3FAD]  }
0x2c: {  	s7 =	sld [smem:$0x3FAE]  }
0x2d: {  	s3 =	simm.s32 $0x108;
	s8 =	sld [smem:$0x3FAF]  }
0x2e: {  	s3 =	simm.s32 @!p0 $0x1082;
	s9 =	sld [smem:$0x3FB0]  }
0x2f: {  	lr =	sadd.s32 s0, s3;
	s0 =	sld [smem:$0x3FA7]  }
0x30: {  	s3 =	sld [smem:$0x3FAA]  }
0x31: {  	[smem:$0x3FB3] =	sst s10  }
0x32: {  	s10 =	sld [smem:$0x3FB1];
	_ =	sdelay $0x3  }
0x33: {  	p0 =	seq.s32 s10, $0x1;
	s10 =	sld [smem:$0x3FB3];
	_ =	sdelay $0x3  }
0x34: {  	[smem:$0x3FB3] =	sst s10  }
0x35: {  	s10 =	sld [smem:$0x3FB2];
	_ =	sdelay $0x3  }
0x36: {  	p1 =	seq.s32 s10, $0x1;
	s10 =	sld [smem:$0x3FB3];
	_ =	sdelay $0x3  }
0x37: {  	[smem:$0x3FB3] =	sst s10  }
0x38: {  	s10 =	sld [smem:$0x3FB4]  }
0x39: {  	_ = 	snop;
	(pc) =	sbr.ind lr, $3  }
0x3a: {  	_ = 	snop  }
0x3b: {  	_ = 	snop  }
0x3c: {  	p2 =	seq.s32 s10, $0x1;
	s10 =	sld [smem:$0x3FB3]  }
0x3d: {  	_ =	shalt  }
0x3e: {  	_ =	shalt  }
0x3f: {  	_ =	shalt  }
0x40: {  	_ =	shalt  }
0x41: {  	_ =	shalt  }
0x42: {  	_ =	shalt  }
0x43: {  	_ =	shalt  }
0x44: {  	_ =	shalt  }
0x45: {  	_ =	shalt  }
0x46: {  	_ =	shalt  }
0x47: {  	_ =	shalt  }
0x48: {  	_ =	shalt  }
0x49: {  	_ =	shalt  }
0x4a: {  	_ =	shalt  }
0x4b: {  	_ =	shalt  }
0x4c: {  	_ =	shalt  }
0x4d: {  	_ =	shalt  }
0x4e: {  	_ =	shalt  }
0x4f: {  	_ =	shalt  }
0x50: {  	_ =	shalt  }
0x51: {  	_ =	shalt  }
0x52: {  	_ =	shalt  }
0x53: {  	_ =	shalt  }
0x54: {  	_ =	shalt  }
0x55: {  	_ =	shalt  }
0x56: {  	_ =	shalt  }
0x57: {  	_ =	shalt  }
0x58: {  	_ =	shalt  }
0x59: {  	_ =	shalt  }
0x5a: {  	_ =	shalt  }
0x5b: {  	_ =	shalt  }
0x5c: {  	_ =	shalt  }
0x5d: {  	_ =	shalt  }
0x5e: {  	_ =	shalt  }
0x5f: {  	_ =	shalt  }
0x60: {  	_ =	shalt  }
0x61: {  	_ =	shalt  }
0x62: {  	_ =	shalt  }
0x63: {  	_ =	shalt  }
0x64: {  	_ =	shalt  }
0x65: {  	_ =	shalt  }
0x66: {  	_ =	shalt  }
0x67: {  	_ =	shalt  }
0x68: {  	_ =	shalt  }
0x69: {  	_ =	shalt  }
0x6a: {  	_ =	shalt  }
0x6b: {  	_ =	shalt  }
0x6c: {  	_ =	shalt  }
0x6d: {  	_ =	shalt  }
0x6e: {  	_ =	shalt  }
0x6f: {  	_ =	shalt  }
0x70: {  	_ =	shalt  }
0x71: {  	_ =	shalt  }
0x72: {  	_ =	shalt  }
0x73: {  	_ =	shalt  }
0x74: {  	_ =	shalt  }
0x75: {  	_ =	shalt  }
0x76: {  	_ =	shalt  }
0x77: {  	_ =	shalt  }
0x78: {  	_ =	shalt  }
0x79: {  	_ =	shalt  }
0x7a: {  	_ =	shalt  }
0x7b: {  	_ =	shalt  }
0x7c: {  	_ =	shalt  }
0x7d: {  	_ =	shalt  }
0x7e: {  	_ =	shalt  }
0x7f: {  	_ =	shalt  }
0x80: {  	_ =	shalt  }
0x81: {  	_ =	shalt  }
0x82: {  	_ =	shalt  }
0x83: {  	_ =	shalt  }
0x84: {  	_ =	shalt  }
0x85: {  	_ =	shalt  }
0x86: {  	_ =	shalt  }
0x87: {  	_ =	shalt  }
.Lfunc_end0:
.L_simem_size_0:
called_computation_lowered:
.L_overlay_start_0:
0x88: {  	s2 =	sld [smem:$0x3FD9]  }
0x89: {  	s3 =	sld [smem:$0x3FFE];
	_ =	sdelay $0x1  }
0x8a: {  	s1 =	srdreg.scid  }
0x8b: {  	s0 =	sand.u32 $0x1, s1  }
0x8c: {  	s17 =	sshll.u32 s0, $0xA;
	s2 =	sadd.s32 s3, s2  }
0x8d: {  	s2 =	sadd.s32 s2, s17  }
0x8e: {  	[smem:$0x3FBF] =	sst s2  }
0x8f: {  	_ = 	snop  }
0x90: {  	s2 =	sld [smem:$0x3FD0];
	(tm) =	ssettm $0x1  }
0x91: {  	s18 =	sld [smem:$0x3FFB];
	_ =	sdelay $0x3  }
0x92: {  	_ =	strace s18  }
0x93: {  	s3 =	sld [smem:$0x3FFC];
	_ =	sdelay $0x3  }
0x94: {  	_ =	strace s3  }
0x95: {  	s3 =	sld [smem:$0x3FFD];
	_ =	sdelay $0x3  }
0x96: {  	_ =	strace s3  }
0x97: {  	_ =	strace $0x8FFFFFFF  }
0x98: {  	s19 =	sld [smem:$0x3FDB];
	_ =	sdelay $0x1  }
0x99: {  	s4 =	simm.s32 $_scs_section_size  }
0x9a: {  	s5 =	simm.s32 $_size__tile_overlayer_lowered;
	s6 =	simm.s32 $_tile_overlayer_lowered  }
0x9b: {  	s22 =	simm.s32 $0x1BFF;
	s21 =	sshll.u32 s6, $0x1;
	s3 =	sadd.s32 s4, s19  }
0x9c: {  	s7 =	simm.s32 $0x0;
	s20 =	sshll.u32 s5, $0x1;
	s5 =	sadd.s32 s21, s3  }
0x9d: {  	[timem:s7], [sflag:s22] =	dma.local [hbm:s5], s20  }
0x9e: {  	_ =	swait.ge [sflag:s22], s20  }
0x9f: {  	s4 =	ssub.s32 $0x0, s20;
	[sflag:s22] =	ssyncset.done $0x0  }
0xa0: {  	[sflag:s22] =	ssyncadd.s32 s4;
	_ =	sdelay $0x1  }
0xa1: {  	s23 =	simm.s32 $0x1B8B  }
0xa2: {  	_ =	swait.ge [sflag:s23], $0x1  }
0xa3: {  	[sflag:s23] =	ssyncset.done $0x0  }
0xa4: {  	s25 =	simm.s32 $0x1B8E;
	s24 =	sld [smem:$0x3FFE];
	[sflag:s23] =	ssyncadd.s32 $0xFFFFFFFF  }
0xa5: {  	s26 =	simm.s32 $execute0_lowered;
	[smem:$0x3FD2] =	sst s25  }
0xa6: {  	s5 =	sshll.u32 s26, $0x1;
	_ =	strace $0x80000046;
	[dreg:$0x1] =	wrdreg $0xFFFFFFFF  }
0xa7: {  	s28 =	simm.s32 $_size_execute0_lowered;
	s3 =	sadd.s32 s3, s5;
	[dreg:$0x0] =	wrdreg $0x0  }
0xa8: {  	s5 =	sshll.u32 s28, $0x1;
	[dreg:$0x2] =	wrdreg s3  }
0xa9: {  	[dreg:$0x3] =	wrdreg s5  }
0xaa: {  	[dreg:$0x4] =	wrdreg $0xC0  }
0xab: {  	_ =	task [dreg:s7], $0x5FFFF  }
0xac: {  	[dreg:$0x1] =	wrdreg $0xFFFFFFFF  }
0xad: {  	[dreg:$0x0] =	wrdreg $0x60  }
0xae: {  	[dreg:$0x2] =	wrdreg s24  }
0xaf: {  	[dreg:$0x3] =	wrdreg s2  }
0xb0: {  	[dreg:$0x4] =	wrdreg $0x9  }
0xb1: {  	_ =	task.clear_ibuf [dreg:s7], $0x5FFFF;
	_ =	strace $0x90000046  }
0xb2: {  	s29 =	simm.s32 $0x9;
	_ =	strace $0x80000048  }
0xb3: {  	_ =	swait.ge [sflag:s29], $0x1  }
0xb4: {  	[sflag:s29] =	ssyncadd.s32 $0xFFFFFFFF  }
0xb5: {  	_ =	strace $0x90000048  }
0xb6: {  	_ =	sfence  }
0xb7: {  	s30 =	sld [smem:$0x0];
	_ =	sdelay $0x2  }
0xb8: {  	s31 =	sshll.u32 s1, $0xD;
	s1 =	sshrl.u32 s1, $0x2  }
0xb9: {  	s3 =	sand.u32 $0x4000, s31;
	s1 =	sadd.s32 s1, s30  }
0xba: {  	s0 =	sor.u32 s3, s0;
	s1 =	sshll.u32 s1, $0x11  }
0xbb: {  	s0 =	sor.u32 s1, s0  }
0xbc: {  	s0 =	sadd.s32 $0x8F2B, s0  }
0xbd: {  	[sflag:s0] =	ssyncadd.remote.s32 $0x1  }
0xbe: {  	_ =	sfence.sel $0xFFFF  }
0xbf: {  	[dreg:$0x0] =	wrdreg $0xFFFFFFFF;
	(pc) =	sbr.abs _section_cstart, $3  }
0xc0: {  	[dreg:$0x1] =	wrdreg $0xFFFFFFFF  }
0xc1: {  	_ =	task.clear_ibuf [dreg:s7], $0x2FFFF;
	_ =	strace $0x9FFFFFFF  }
0xc2: {  	(tm) =	ssettm $0x7FFFFFFF  }
0xc3: {  	_ =	shalt  }
tec
execute0_lowered:
.L_overlay_start_1:
0x0: {  	(tag) =	ssettag $0x1  }
0x1: {  	s1 =	srdreg.scid  }
0x2: {  	s0 =	stileid.u32;
	s8 =	rddreg [dreg:$0x0]  }
0x3: {  	s3 =	rddreg [dreg:$0x1];
	s6 =	sand.u32 $0x1, s1;
	s30 =	sshll.u32 s0, $0x1  }
0x4: {  	s2 =	simm.s32 $0x0;
	s1 =	rddreg [dreg:$0x2];
	s7 =	sor.u32 s6, s30  }
0x5: {  	[smem:$0x7FF] =	sst s2;
	s4 =	smul.u32 $0x60, s7  }
0x6: {  	s5 =	sadd.s32 $0x1400, s8;
	_ =	strace $0x80000047;
	s10 =	ssub.s32 $0x2, s6  }
0x7: {  	s6 =	simm.s32 $0x300;
	s4 =	sadd.s32 s3, s4;
	s3 =	simm.s32 $0x2  }
0x8: {  	[tilespmem:s2], [sflag:$0x2] =	stream.linear.gather [hbm4b:s4+s2], $0x300, $0x38;
	[tilespmem:$0xC300] =	vst v63  }
0x9: {  	s9 =	smul.u32 $0x1800, s7;
	s11 =	sshrl.u32 s10, $0x1;
	_ =	swait.ge [sflag:s3], $0x300  }
0xa: {  	s7 =	simm.s32 $0x1;
	s31 =	ssub.s32 s10, s11;
	[sflag:s3] =	ssyncset.done $0x0  }
0xb: {  	s8 =	sadd.s32 s9, s8;
	s9 =	smax.u32 s31, $0x1;
	[sflag:s3] =	ssyncadd.s32 $0xFFFFFD00  }
0xc: {  	[tilespmem:s6], [sflag:$0x1] =	stream.indirect.gather [hbm4b:s5+s6], $0x40, s2, s6, $0xb8;
	[tilespmem:$0xC300] =	vst v63  }
0xd: {  	p0 =	sne.s32 s9, $0x1;
	_ =	swait.ge [sflag:s7], $0xC000  }
.Ltmp0:
0xe: {  	[sflag:s7] =	ssyncset.done $0x0;
	(pc) =	sbr.rel @!p0 .LBB2_2-.Ltmp0, $4  }
0xf: {  	s8 =	sadd.s32 $0x5400, s8;
	[sflag:s7] =	ssyncadd.s32 $0xFFFF4000  }
0x10: {  	[hbm4b:s8+s2] =	stream.linear.scatter [tilespmem:s6], [sflag:$0x2], $0xC000, $0x38;
	[tilespmem:$0xC300] =	vst v63  }
0x11: {  	_ =	swait.ge [sflag:s3], $0xC000  }
0x12: {  	s9 =	sadd.s32 $0xFFFFFFFF, s9;
	[sflag:s3] =	ssyncset.done $0x0  }
.LBB2_1:
0x13: {  	p0 =	sne.s32 s9, $0x1;
	s9 =	sadd.s32 $0xFFFFFFFF, s9;
	[sflag:s3] =	ssyncadd.s32 $0xFFFF4000  }
0x14: {  	[tilespmem:s2], [sflag:$0x2] =	stream.linear.gather [hbm4b:s4+s2], $0x300, $0x38;
	[tilespmem:$0xC300] =	vst v63  }
0x15: {  	_ =	swait.ge [sflag:s3], $0x300  }
0x16: {  	[sflag:s3] =	ssyncset.done $0x0  }
0x17: {  	[sflag:s3] =	ssyncadd.s32 $0xFFFFFD00  }
0x18: {  	[tilespmem:s6], [sflag:$0x1] =	stream.indirect.gather [hbm4b:s5+s6], $0x40, s2, s6, $0xb8;
	[tilespmem:$0xC300] =	vst v63  }
0x19: {  	_ =	swait.ge [sflag:s7], $0xC000  }
.Ltmp1:
0x1a: {  	[sflag:s7] =	ssyncset.done $0x0;
	(pc) =	sbr.rel @p0 .LBB2_1-.Ltmp1, $4  }
0x1b: {  	[sflag:s7] =	ssyncadd.s32 $0xFFFF4000  }
0x1c: {  	[hbm4b:s8+s2] =	stream.linear.scatter [tilespmem:s6], [sflag:$0x2], $0xC000, $0x38;
	[tilespmem:$0xC300] =	vst v63  }
0x1d: {  	_ =	swait.ge [sflag:s3], $0xC000  }
0x1e: {  	[sflag:s3] =	ssyncset.done $0x0  }
.LBB2_2:
0x1f: {  	[sflag:s3] =	ssyncadd.s32 $0xFFFF4000  }
0x20: {  	_ =	sfence.sel $0x180000  }
0x21: {  	[bflag:$0x0] =	sbarrier.arrive $0xFFFF  }
0x22: {  	p0 =	sne.s32 s0, $0x0;
	_ =	strace $0x90000047  }
0x23: {  	s0 =	sadd.s32 @!p0 $0x100000, s1;
	[bflag:$0x2] =	sbarrier.arrive $0xFFFF  }
0x24: {  	[sflag:s0] =	ssyncadd.tile.s32 @!p0 $0x1;
	_ =	shalt  }
.Lfunc_end2:
_tile_overlayer_lowered:
.L_overlay_start_2:
0x25: {  	(tag) =	ssettag $0x2  }
0x26: {  	s0 =	rddreg [dreg:$0x0];
	s2 =	stileid.u32  }
0x27: {  	s1 =	rddreg [dreg:$0x1];
	p0 =	sne.s32 s2, $0x0  }
0x28: {  	s3 =	rddreg [dreg:$0x2];
	[bflag:$0x3] =	sbarrier.arrive $0xFFFF;
	s2 =	simm.s32 @!p0 $0x1C02  }
0x29: {  	[timem:s3], [sflag:s2] =	dma.local @!p0 [hbm:s0], s1  }
0x2a: {  	s0 =	simm.s32 @!p0 $0x2  }
0x2b: {  	_ =	swait.ge @!p0 [sflag:s0], s1  }
0x2c: {  	s1 =	ssub.s32 @!p0 $0x0, s1;
	[sflag:s0] =	ssyncset.done @!p0 $0x0  }
0x2d: {  	[sflag:s0] =	ssyncadd.s32 @!p0 s1  }
0x2e: {  	[bflag:$0x3] =	sbarrier.arrive $0xFFFF  }
0x2f: {  	_ =	shalt  }

</sc_bundles>
